<compile_context>
chip_gen: v7x
topology: tpu7x:2x2x1
jax: 0.10.2.dev20260603
libtpu: 0.0.44.dev20260713+nightly
codegen_flags: <defaults>
</compile_context>

<pallas_src>
import functools

import jax
import jax.numpy as jnp
from jax import lax
from jax.experimental import pallas as pl
from jax.experimental.pallas import tpu as pltpu
from jax.experimental.pallas import tpu_sc as plsc

N_NODES = 10000
N_EDGES = 160000
D = 256
DH = 128

NS = 16
BATCH = 128
NB = 80
R = 2
G = 1
M = 2 * R
E_PAD = NS * NB * BATCH
ACC_ROWS = 10240
ZROWS = ACC_ROWS // NS
WB_CHUNK = 128

RB = 1000



def _mm1_body(x_ref, w_ref, o_ref):
    h = jnp.dot(x_ref[...], w_ref[...], preferred_element_type=jnp.float32)
    o_ref[0] = h[:, :DH]
    o_ref[1] = h[:, DH:]


def _mm1(x, w):
    return pl.pallas_call(
        _mm1_body,
        grid=(N_NODES // RB,),
        in_specs=[
            pl.BlockSpec((RB, D), lambda r: (r, 0)),
            pl.BlockSpec((D, D), lambda r: (0, 0)),
        ],
        out_specs=pl.BlockSpec((2, RB, DH), lambda r: (0, r, 0)),
        out_shape=jax.ShapeDtypeStruct((2, N_NODES, DH), jnp.float32),
    )(x, w)


def _mm2_body(s_ref, b_ref, w_ref, o_ref):
    s = jnp.concatenate([s_ref[0], s_ref[1]], axis=1)
    a = jnp.maximum(s + b_ref[...], 0.0)
    h = jnp.dot(a, w_ref[...], preferred_element_type=jnp.float32)
    o_ref[0] = h[:, :DH]
    o_ref[1] = h[:, DH:]


def _mm2(s, b, w):
    return pl.pallas_call(
        _mm2_body,
        grid=(N_NODES // RB,),
        in_specs=[
            pl.BlockSpec((2, RB, DH), lambda r: (0, r, 0)),
            pl.BlockSpec((1, D), lambda r: (0, 0)),
            pl.BlockSpec((D, D), lambda r: (0, 0)),
        ],
        out_specs=pl.BlockSpec((2, RB, DH), lambda r: (0, r, 0)),
        out_shape=jax.ShapeDtypeStruct((2, N_NODES, DH), jnp.float32),
    )(s, b, w)


def _fin_body(s_ref, b_ref, o_ref):
    s = jnp.concatenate([s_ref[0], s_ref[1]], axis=1)
    o_ref[...] = jnp.maximum(s + b_ref[...], 0.0)


def _fin(s, b):
    return pl.pallas_call(
        _fin_body,
        grid=(N_NODES // RB,),
        in_specs=[
            pl.BlockSpec((2, RB, DH), lambda r: (0, r, 0)),
            pl.BlockSpec((1, D), lambda r: (0, 0)),
        ],
        out_specs=pl.BlockSpec((RB, D), lambda r: (r, 0)),
        out_shape=jax.ShapeDtypeStruct((N_NODES, D), jnp.float32),
    )(s, b)



def _sc_scatter_body(*refs):
    arr_hbm, h_hbm, z_hbm, o_hbm = refs[:4]
    ibufs = list(refs[4:4 + M])
    gbufs = list(refs[4 + M:4 + M + R])
    acc_sh = refs[4 + M + R]
    isems = list(refs[5 + M + R:5 + 2 * M + R])
    gsems = list(refs[5 + 2 * M + R:5 + 2 * M + 2 * R])
    ssems = list(refs[5 + 2 * M + 2 * R:5 + 2 * M + 3 * R])

    c = lax.axis_index("c")
    s = lax.axis_index("s")

    arr_s = arr_hbm.at[s]
    h_c = h_hbm.at[c]

    def issue_idx(k, slot):
        pltpu.async_copy(arr_s.at[k], ibufs[slot], isems[slot])

    def wait_idx(slot):
        pltpu.make_async_copy(arr_s.at[0], ibufs[slot], isems[slot]).wait()

    def start_gather(jb, slot):
        pltpu.async_copy(h_c.at[ibufs[slot].at[0]], gbufs[jb], gsems[jb])

    def wait_gather(jb, slot):
        pltpu.make_async_copy(h_c.at[ibufs[slot].at[0]],
                              gbufs[jb], gsems[jb]).wait()

    def start_scatter(jb, slot):
        pltpu.async_copy(gbufs[jb], acc_sh.at[ibufs[slot].at[1]],
                         ssems[jb], add=True)

    def wait_scatter(jb, slot):
        pltpu.make_async_copy(gbufs[jb], acc_sh.at[ibufs[slot].at[1]],
                              ssems[jb]).wait()

    for t in range(M):
        issue_idx(t, t)
    pltpu.sync_copy(z_hbm, acc_sh.at[pl.ds(s * ZROWS, ZROWS)])
    plsc.subcore_barrier()
    for t in range(G):
        wait_idx(t)
        start_gather(t % R, t)

    @pl.loop(0, NB, step=M)
    def _edges(b):
        for j in range(M):
            jb = j % R
            k = b + j
            wait_gather(jb, j)
            start_scatter(jb, j)

            @pl.when(k > R - G - 1)
            def _():
                wait_scatter((j + G) % R, (j + G - R) % M)

            @pl.when(jnp.logical_and(k > R - G - 1, k + R + G < NB))
            def _():
                issue_idx(k + R + G, (j + R + G) % M)

            @pl.when(k + G < NB)
            def _():
                wait_idx((j + G) % M)
                start_gather((j + G) % R, (j + G) % M)

    for t in range(R - G):
        k = NB - 1 - t
        wait_scatter(k % R, k % M)
    plsc.subcore_barrier()

    o_c = o_hbm.at[c]

    @pl.loop(0, ZROWS // WB_CHUNK)
    def _wb(k):
        base = s * ZROWS + k * WB_CHUNK
        pltpu.sync_copy(acc_sh.at[pl.ds(base, WB_CHUNK)],
                        gbufs[0].at[pl.ds(0, WB_CHUNK)])
        pltpu.sync_copy(gbufs[0].at[pl.ds(0, WB_CHUNK)],
                        o_c.at[pl.ds(base, WB_CHUNK)])


@functools.cache
def _sc_scatter_kernel():
    mesh = plsc.VectorSubcoreMesh(core_axis_name="c", subcore_axis_name="s")
    return pl.kernel(
        _sc_scatter_body,
        out_type=jax.ShapeDtypeStruct((2, ACC_ROWS, DH), jnp.float32),
        mesh=mesh,
        scratch_types=(
            [pltpu.VMEM((2, BATCH), jnp.int32)] * M
            + [pltpu.VMEM((BATCH, DH), jnp.float32)] * R
            + [pltpu.VMEM_SHARED((ACC_ROWS, DH), jnp.float32)]
            + [pltpu.SemaphoreType.DMA] * (M + 2 * R)
        ),
    )


def _sc_scatter(arr, h, zeros):
    return _sc_scatter_kernel()(arr, h, zeros)



def _prep_edges(edge_index):
    ei = edge_index.astype(jnp.int32)
    npad = E_PAD - N_EDGES
    col = jnp.concatenate([ei[1], jnp.zeros((npad,), jnp.int32)])
    row = jnp.concatenate([ei[0], jnp.full((npad,), N_NODES, jnp.int32)])
    return jnp.stack(
        [col.reshape(NS, NB, BATCH), row.reshape(NS, NB, BATCH)], axis=2)


def kernel(x, edge_index, W1, b1, W2, b2):
    arr = _prep_edges(edge_index)
    zeros = jnp.zeros((ZROWS, DH), jnp.float32)
    h1 = _mm1(x, W1)
    s1 = _sc_scatter(arr, h1, zeros)
    h2 = _mm2(s1, b1.reshape(1, D), W2)
    s2 = _sc_scatter(arr, h2, zeros)
    logits = _fin(s2, b2.reshape(1, D))
    return (logits, jnp.float32(0.0))

# --- scband reference (transcript-rebuilt; emitter-appended) ---
"""Pipeline reference for scband-gcn-59957743452554 (READ-ONLY COPY).

The authoritative reference and input builder live on the scoring server;
editing this copy changes nothing except your own understanding.
"""

import jax, jax.numpy as jnp
import numpy as np

N_NODES = 10000
N_EDGES = 160000
D_IN = 256
HIDDEN = [256, 256]


def setup_inputs(seed: int = 0) -> dict:
    key = jax.random.key(seed)
    k_x, k_e, k_w1, k_w2 = jax.random.split(key, 4)
    x = jax.random.normal(k_x, (N_NODES, D_IN), dtype=jnp.float32)
    edge_index = jax.random.randint(k_e, (2, N_EDGES), 0, N_NODES, dtype=jnp.int64)
    # xavier_uniform init for weights, zeros for bias
    def xavier(k, fan_in, fan_out):
        limit = jnp.sqrt(6.0 / (fan_in + fan_out))
        return jax.random.uniform(k, (fan_in, fan_out), minval=-limit, maxval=limit, dtype=jnp.float32)
    W1 = xavier(k_w1, D_IN, HIDDEN[0])
    b1 = jnp.zeros((HIDDEN[0],), dtype=jnp.float32)
    W2 = xavier(k_w2, HIDDEN[0], HIDDEN[1])
    b2 = jnp.zeros((HIDDEN[1],), dtype=jnp.float32)
    return {"x": x, "edge_index": edge_index, "W1": W1, "b1": b1, "W2": W2, "b2": b2}


def _gcn_layer(x, edge_index, W, b):
    # x = x @ W ; out[row] += x[col] ; out += bias ; relu
    h = jnp.matmul(x, W)
    row = edge_index[0]
    col = edge_index[1]
    out = jnp.zeros((x.shape[0], W.shape[1]), dtype=h.dtype)
    out = out.at[row].add(h[col])
    out = out + b
    return jax.nn.relu(out)


def reference(x, edge_index, W1, b1, W2, b2):
    # layer 1 (dropout p=0.0 is a no-op)
    h = _gcn_layer(x, edge_index, W1, b1)
    # final layer
    logits = _gcn_layer(h, edge_index, W2, b2)
    memory_alloc = jnp.float32(0.0)  # torch.cuda.memory_allocated() analogue
    return (logits, memory_alloc)

if __name__ == "__main__":
    import jax
    _d = setup_inputs()
    print(jax.jit(kernel)(*tuple(_d.values())))

</pallas_src>

<mosaic_0001>
#map = affine_map<(d0, d1) -> (0, 0, 0, 0)>
#map1 = affine_map<(d0, d1) -> (0, 0, 0)>
#map2 = affine_map<(d0, d1) -> (0, 0)>
module attributes {stable_mosaic.version = 14 : i64} {
  func.func @_sc_scatter_body(%arg0: i32, %arg1: i32, %arg2: memref<16x80x2x128xi32, #tpu.memory_space<hbm>>, %arg3: memref<2x10000x128xf32, #tpu.memory_space<hbm>>, %arg4: memref<640x128xf32, #tpu.memory_space<hbm>>, %arg5: memref<2x10240x128xf32, #tpu.memory_space<hbm>>, %arg6: memref<2x128xi32, #tpu.memory_space<vmem>>, %arg7: memref<2x128xi32, #tpu.memory_space<vmem>>, %arg8: memref<2x128xi32, #tpu.memory_space<vmem>>, %arg9: memref<2x128xi32, #tpu.memory_space<vmem>>, %arg10: memref<128x128xf32, #tpu.memory_space<vmem>>, %arg11: memref<128x128xf32, #tpu.memory_space<vmem>>, %arg12: memref<10240x128xf32, #tpu.memory_space<vmem_shared>>, %arg13: memref<!tpu.dma_semaphore, #tpu.memory_space<semaphore_mem>>, %arg14: memref<!tpu.dma_semaphore, #tpu.memory_space<semaphore_mem>>, %arg15: memref<!tpu.dma_semaphore, #tpu.memory_space<semaphore_mem>>, %arg16: memref<!tpu.dma_semaphore, #tpu.memory_space<semaphore_mem>>, %arg17: memref<!tpu.dma_semaphore, #tpu.memory_space<semaphore_mem>>, %arg18: memref<!tpu.dma_semaphore, #tpu.memory_space<semaphore_mem>>, %arg19: memref<!tpu.dma_semaphore, #tpu.memory_space<semaphore_mem>>, %arg20: memref<!tpu.dma_semaphore, #tpu.memory_space<semaphore_mem>>) attributes {dimension_semantics = [#tpu.dimension_semantics<core_parallel>, #tpu.dimension_semantics<subcore_parallel>], iteration_bounds = array<i64: 2, 16>, scalar_prefetch = 0 : i64, scratch_operands = 15 : i64, tpu.core_type = #tpu.core_type<sc_vector_subcore>, window_params = [{transform_indices = #map}, {transform_indices = #map1}, {transform_indices = #map2}, {transform_indices = #map1}]} {
    %dma_start3A = arith.constant 0 : i32
    %dma_start3A_0 = arith.constant 0 : i32
    %dma_start3A_1 = arith.constant 0 : i32
    %dma_start3A_2 = arith.constant 0 : i32
    %dma_start3A_3 = tpu.memref_slice %arg2[%arg1, %dma_start3A_0, %dma_start3A_1, %dma_start3A_2] : memref<16x80x2x128xi32, #tpu.memory_space<hbm>> -> memref<1x80x2x128xi32, #tpu.memory_space<hbm>>
    %dma_start3A_4 = tpu.memref_squeeze %dma_start3A_3 : memref<1x80x2x128xi32, #tpu.memory_space<hbm>> -> memref<80x2x128xi32, #tpu.memory_space<hbm>>
    %dma_start3A_5 = arith.constant 0 : i32
    %dma_start3A_6 = arith.constant 0 : i32
    %dma_start3A_7 = tpu.memref_slice %dma_start3A_4[%dma_start3A, %dma_start3A_5, %dma_start3A_6] : memref<80x2x128xi32, #tpu.memory_space<hbm>> -> memref<1x2x128xi32, #tpu.memory_space<hbm>>
    %dma_start3A_8 = tpu.memref_squeeze %dma_start3A_7 : memref<1x2x128xi32, #tpu.memory_space<hbm>> -> memref<2x128xi32, #tpu.memory_space<hbm>>
    %dma_start3A_9 = arith.constant 0 : i32
    %dma_start3A_10 = arith.constant 0 : i32
    %dma_start3A_11 = arith.constant 0 : i32
    %dma_start3A_12 = tpu.memref_slice %arg2[%arg1, %dma_start3A_9, %dma_start3A_10, %dma_start3A_11] : memref<16x80x2x128xi32, #tpu.memory_space<hbm>> -> memref<1x80x2x128xi32, #tpu.memory_space<hbm>>
    %dma_start3A_13 = tpu.memref_squeeze %dma_start3A_12 : memref<1x80x2x128xi32, #tpu.memory_space<hbm>> -> memref<80x2x128xi32, #tpu.memory_space<hbm>>
    %dma_start3A_14 = arith.constant 0 : i32
    %dma_start3A_15 = arith.constant 0 : i32
    %dma_start3A_16 = tpu.memref_slice %dma_start3A_13[%dma_start3A, %dma_start3A_14, %dma_start3A_15] : memref<80x2x128xi32, #tpu.memory_space<hbm>> -> memref<1x2x128xi32, #tpu.memory_space<hbm>>
    %dma_start3A_17 = tpu.memref_squeeze %dma_start3A_16 : memref<1x2x128xi32, #tpu.memory_space<hbm>> -> memref<2x128xi32, #tpu.memory_space<hbm>>
    tpu.enqueue_dma source(%dma_start3A_17 : memref<2x128xi32, #tpu.memory_space<hbm>>) target(%arg6 : memref<2x128xi32, #tpu.memory_space<vmem>>) target_semaphore(%arg13 : memref<!tpu.dma_semaphore, #tpu.memory_space<semaphore_mem>>)
    %dma_start3A_18 = arith.constant 1 : i32
    %dma_start3A_19 = arith.constant 0 : i32
    %dma_start3A_20 = arith.constant 0 : i32
    %dma_start3A_21 = arith.constant 0 : i32
    %dma_start3A_22 = tpu.memref_slice %arg2[%arg1, %dma_start3A_19, %dma_start3A_20, %dma_start3A_21] : memref<16x80x2x128xi32, #tpu.memory_space<hbm>> -> memref<1x80x2x128xi32, #tpu.memory_space<hbm>>
    %dma_start3A_23 = tpu.memref_squeeze %dma_start3A_22 : memref<1x80x2x128xi32, #tpu.memory_space<hbm>> -> memref<80x2x128xi32, #tpu.memory_space<hbm>>
    %dma_start3A_24 = arith.constant 0 : i32
    %dma_start3A_25 = arith.constant 0 : i32
    %dma_start3A_26 = tpu.memref_slice %dma_start3A_23[%dma_start3A_18, %dma_start3A_24, %dma_start3A_25] : memref<80x2x128xi32, #tpu.memory_space<hbm>> -> memref<1x2x128xi32, #tpu.memory_space<hbm>>
    %dma_start3A_27 = tpu.memref_squeeze %dma_start3A_26 : memref<1x2x128xi32, #tpu.memory_space<hbm>> -> memref<2x128xi32, #tpu.memory_space<hbm>>
    %dma_start3A_28 = arith.constant 0 : i32
    %dma_start3A_29 = arith.constant 0 : i32
    %dma_start3A_30 = arith.constant 0 : i32
    %dma_start3A_31 = tpu.memref_slice %arg2[%arg1, %dma_start3A_28, %dma_start3A_29, %dma_start3A_30] : memref<16x80x2x128xi32, #tpu.memory_space<hbm>> -> memref<1x80x2x128xi32, #tpu.memory_space<hbm>>
    %dma_start3A_32 = tpu.memref_squeeze %dma_start3A_31 : memref<1x80x2x128xi32, #tpu.memory_space<hbm>> -> memref<80x2x128xi32, #tpu.memory_space<hbm>>
    %dma_start3A_33 = arith.constant 0 : i32
    %dma_start3A_34 = arith.constant 0 : i32
    %dma_start3A_35 = tpu.memref_slice %dma_start3A_32[%dma_start3A_18, %dma_start3A_33, %dma_start3A_34] : memref<80x2x128xi32, #tpu.memory_space<hbm>> -> memref<1x2x128xi32, #tpu.memory_space<hbm>>
    %dma_start3A_36 = tpu.memref_squeeze %dma_start3A_35 : memref<1x2x128xi32, #tpu.memory_space<hbm>> -> memref<2x128xi32, #tpu.memory_space<hbm>>
    tpu.enqueue_dma source(%dma_start3A_36 : memref<2x128xi32, #tpu.memory_space<hbm>>) target(%arg7 : memref<2x128xi32, #tpu.memory_space<vmem>>) target_semaphore(%arg14 : memref<!tpu.dma_semaphore, #tpu.memory_space<semaphore_mem>>)
    %dma_start3A_37 = arith.constant 2 : i32
    %dma_start3A_38 = arith.constant 0 : i32
    %dma_start3A_39 = arith.constant 0 : i32
    %dma_start3A_40 = arith.constant 0 : i32
    %dma_start3A_41 = tpu.memref_slice %arg2[%arg1, %dma_start3A_38, %dma_start3A_39, %dma_start3A_40] : memref<16x80x2x128xi32, #tpu.memory_space<hbm>> -> memref<1x80x2x128xi32, #tpu.memory_space<hbm>>
    %dma_start3A_42 = tpu.memref_squeeze %dma_start3A_41 : memref<1x80x2x128xi32, #tpu.memory_space<hbm>> -> memref<80x2x128xi32, #tpu.memory_space<hbm>>
    %dma_start3A_43 = arith.constant 0 : i32
    %dma_start3A_44 = arith.constant 0 : i32
    %dma_start3A_45 = tpu.memref_slice %dma_start3A_42[%dma_start3A_37, %dma_start3A_43, %dma_start3A_44] : memref<80x2x128xi32, #tpu.memory_space<hbm>> -> memref<1x2x128xi32, #tpu.memory_space<hbm>>
    %dma_start3A_46 = tpu.memref_squeeze %dma_start3A_45 : memref<1x2x128xi32, #tpu.memory_space<hbm>> -> memref<2x128xi32, #tpu.memory_space<hbm>>
    %dma_start3A_47 = arith.constant 0 : i32
    %dma_start3A_48 = arith.constant 0 : i32
    %dma_start3A_49 = arith.constant 0 : i32
    %dma_start3A_50 = tpu.memref_slice %arg2[%arg1, %dma_start3A_47, %dma_start3A_48, %dma_start3A_49] : memref<16x80x2x128xi32, #tpu.memory_space<hbm>> -> memref<1x80x2x128xi32, #tpu.memory_space<hbm>>
    %dma_start3A_51 = tpu.memref_squeeze %dma_start3A_50 : memref<1x80x2x128xi32, #tpu.memory_space<hbm>> -> memref<80x2x128xi32, #tpu.memory_space<hbm>>
    %dma_start3A_52 = arith.constant 0 : i32
    %dma_start3A_53 = arith.constant 0 : i32
    %dma_start3A_54 = tpu.memref_slice %dma_start3A_51[%dma_start3A_37, %dma_start3A_52, %dma_start3A_53] : memref<80x2x128xi32, #tpu.memory_space<hbm>> -> memref<1x2x128xi32, #tpu.memory_space<hbm>>
    %dma_start3A_55 = tpu.memref_squeeze %dma_start3A_54 : memref<1x2x128xi32, #tpu.memory_space<hbm>> -> memref<2x128xi32, #tpu.memory_space<hbm>>
    tpu.enqueue_dma source(%dma_start3A_55 : memref<2x128xi32, #tpu.memory_space<hbm>>) target(%arg8 : memref<2x128xi32, #tpu.memory_space<vmem>>) target_semaphore(%arg15 : memref<!tpu.dma_semaphore, #tpu.memory_space<semaphore_mem>>)
    %dma_start3A_56 = arith.constant 3 : i32
    %dma_start3A_57 = arith.constant 0 : i32
    %dma_start3A_58 = arith.constant 0 : i32
    %dma_start3A_59 = arith.constant 0 : i32
    %dma_start3A_60 = tpu.memref_slice %arg2[%arg1, %dma_start3A_57, %dma_start3A_58, %dma_start3A_59] : memref<16x80x2x128xi32, #tpu.memory_space<hbm>> -> memref<1x80x2x128xi32, #tpu.memory_space<hbm>>
    %dma_start3A_61 = tpu.memref_squeeze %dma_start3A_60 : memref<1x80x2x128xi32, #tpu.memory_space<hbm>> -> memref<80x2x128xi32, #tpu.memory_space<hbm>>
    %dma_start3A_62 = arith.constant 0 : i32
    %dma_start3A_63 = arith.constant 0 : i32
    %dma_start3A_64 = tpu.memref_slice %dma_start3A_61[%dma_start3A_56, %dma_start3A_62, %dma_start3A_63] : memref<80x2x128xi32, #tpu.memory_space<hbm>> -> memref<1x2x128xi32, #tpu.memory_space<hbm>>
    %dma_start3A_65 = tpu.memref_squeeze %dma_start3A_64 : memref<1x2x128xi32, #tpu.memory_space<hbm>> -> memref<2x128xi32, #tpu.memory_space<hbm>>
    %dma_start3A_66 = arith.constant 0 : i32
    %dma_start3A_67 = arith.constant 0 : i32
    %dma_start3A_68 = arith.constant 0 : i32
    %dma_start3A_69 = tpu.memref_slice %arg2[%arg1, %dma_start3A_66, %dma_start3A_67, %dma_start3A_68] : memref<16x80x2x128xi32, #tpu.memory_space<hbm>> -> memref<1x80x2x128xi32, #tpu.memory_space<hbm>>
    %dma_start3A_70 = tpu.memref_squeeze %dma_start3A_69 : memref<1x80x2x128xi32, #tpu.memory_space<hbm>> -> memref<80x2x128xi32, #tpu.memory_space<hbm>>
    %dma_start3A_71 = arith.constant 0 : i32
    %dma_start3A_72 = arith.constant 0 : i32
    %dma_start3A_73 = tpu.memref_slice %dma_start3A_70[%dma_start3A_56, %dma_start3A_71, %dma_start3A_72] : memref<80x2x128xi32, #tpu.memory_space<hbm>> -> memref<1x2x128xi32, #tpu.memory_space<hbm>>
    %dma_start3A_74 = tpu.memref_squeeze %dma_start3A_73 : memref<1x2x128xi32, #tpu.memory_space<hbm>> -> memref<2x128xi32, #tpu.memory_space<hbm>>
    tpu.enqueue_dma source(%dma_start3A_74 : memref<2x128xi32, #tpu.memory_space<hbm>>) target(%arg9 : memref<2x128xi32, #tpu.memory_space<vmem>>) target_semaphore(%arg16 : memref<!tpu.dma_semaphore, #tpu.memory_space<semaphore_mem>>)
    %mul3A = arith.constant 640 : i32
    %mul3A_75 = arith.muli %arg1, %mul3A : i32
    "tpu.region"() ({
      %run_scoped3A = tpu.sem_alloc : memref<!tpu.dma_semaphore, #tpu.memory_space<semaphore_mem>>
      %dma_start3A_122 = arith.constant 0 : i32
      %dma_start3A_123 = tpu.memref_slice %arg12[%mul3A_75, %dma_start3A_122] : memref<10240x128xf32, #tpu.memory_space<vmem_shared>> -> memref<640x128xf32, #tpu.memory_space<vmem_shared>>
      tpu.enqueue_dma source(%arg4 : memref<640x128xf32, #tpu.memory_space<hbm>>) target(%dma_start3A_123 : memref<640x128xf32, #tpu.memory_space<vmem_shared>>) target_semaphore(%run_scoped3A : memref<!tpu.dma_semaphore, #tpu.memory_space<semaphore_mem>>)
      %dma_wait3A_124 = arith.constant 0 : i32
      %dma_wait3A_125 = tpu.memref_slice %arg12[%mul3A_75, %dma_wait3A_124] : memref<10240x128xf32, #tpu.memory_space<vmem_shared>> -> memref<640x128xf32, #tpu.memory_space<vmem_shared>>
      tpu.wait_dma2 semaphore(%run_scoped3A : memref<!tpu.dma_semaphore, #tpu.memory_space<semaphore_mem>>) src(%arg4 : memref<640x128xf32, #tpu.memory_space<hbm>>) dst(%dma_wait3A_125 : memref<640x128xf32, #tpu.memory_space<vmem_shared>>)
      tpu.yield
    }) : () -> ()
    %barrier3A = arith.constant 0 : index
    tpu.barrier barrier_id(%barrier3A)
    %dma_wait3A = arith.constant 0 : i32
    %dma_wait3A_76 = arith.constant 0 : i32
    %dma_wait3A_77 = arith.constant 0 : i32
    %dma_wait3A_78 = arith.constant 0 : i32
    %dma_wait3A_79 = tpu.memref_slice %arg2[%arg1, %dma_wait3A_76, %dma_wait3A_77, %dma_wait3A_78] : memref<16x80x2x128xi32, #tpu.memory_space<hbm>> -> memref<1x80x2x128xi32, #tpu.memory_space<hbm>>
    %dma_wait3A_80 = tpu.memref_squeeze %dma_wait3A_79 : memref<1x80x2x128xi32, #tpu.memory_space<hbm>> -> memref<80x2x128xi32, #tpu.memory_space<hbm>>
    %dma_wait3A_81 = arith.constant 0 : i32
    %dma_wait3A_82 = arith.constant 0 : i32
    %dma_wait3A_83 = tpu.memref_slice %dma_wait3A_80[%dma_wait3A, %dma_wait3A_81, %dma_wait3A_82] : memref<80x2x128xi32, #tpu.memory_space<hbm>> -> memref<1x2x128xi32, #tpu.memory_space<hbm>>
    %dma_wait3A_84 = tpu.memref_squeeze %dma_wait3A_83 : memref<1x2x128xi32, #tpu.memory_space<hbm>> -> memref<2x128xi32, #tpu.memory_space<hbm>>
    %dma_wait3A_85 = arith.constant 0 : i32
    %dma_wait3A_86 = arith.constant 0 : i32
    %dma_wait3A_87 = arith.constant 0 : i32
    %dma_wait3A_88 = tpu.memref_slice %arg2[%arg1, %dma_wait3A_85, %dma_wait3A_86, %dma_wait3A_87] : memref<16x80x2x128xi32, #tpu.memory_space<hbm>> -> memref<1x80x2x128xi32, #tpu.memory_space<hbm>>
    %dma_wait3A_89 = tpu.memref_squeeze %dma_wait3A_88 : memref<1x80x2x128xi32, #tpu.memory_space<hbm>> -> memref<80x2x128xi32, #tpu.memory_space<hbm>>
    %dma_wait3A_90 = arith.constant 0 : i32
    %dma_wait3A_91 = arith.constant 0 : i32
    %dma_wait3A_92 = tpu.memref_slice %dma_wait3A_89[%dma_wait3A, %dma_wait3A_90, %dma_wait3A_91] : memref<80x2x128xi32, #tpu.memory_space<hbm>> -> memref<1x2x128xi32, #tpu.memory_space<hbm>>
    %dma_wait3A_93 = tpu.memref_squeeze %dma_wait3A_92 : memref<1x2x128xi32, #tpu.memory_space<hbm>> -> memref<2x128xi32, #tpu.memory_space<hbm>>
    tpu.wait_dma2 semaphore(%arg13 : memref<!tpu.dma_semaphore, #tpu.memory_space<semaphore_mem>>) src(%dma_wait3A_93 : memref<2x128xi32, #tpu.memory_space<hbm>>) dst(%arg6 : memref<2x128xi32, #tpu.memory_space<vmem>>)
    %dma_start3A_94 = arith.constant 0 : i32
    %dma_start3A_95 = arith.constant 0 : i32
    %dma_start3A_96 = tpu.memref_slice %arg6[%dma_start3A_94, %dma_start3A_95] : memref<2x128xi32, #tpu.memory_space<vmem>> -> memref<1x128xi32, #tpu.memory_space<vmem>>
    %dma_start3A_97 = tpu.memref_squeeze %dma_start3A_96 : memref<1x128xi32, #tpu.memory_space<vmem>> -> memref<128xi32, #tpu.memory_space<vmem>>
    %dma_start3A_98 = arith.constant 0 : i32
    %dma_start3A_99 = arith.constant 0 : i32
    %dma_start3A_100 = tpu.memref_slice %arg3[%arg0, %dma_start3A_98, %dma_start3A_99] : memref<2x10000x128xf32, #tpu.memory_space<hbm>> -> memref<1x10000x128xf32, #tpu.memory_space<hbm>>
    %dma_start3A_101 = tpu.memref_squeeze %dma_start3A_100 : memref<1x10000x128xf32, #tpu.memory_space<hbm>> -> memref<10000x128xf32, #tpu.memory_space<hbm>>
    %dma_start3A_102 = arith.constant 0 : i32
    %dma_start3A_103 = arith.constant 0 : i32
    %dma_start3A_104 = tpu.memref_slice %dma_start3A_101[%dma_start3A_102, %dma_start3A_103] : memref<10000x128xf32, #tpu.memory_space<hbm>> -> memref<10000x128xf32, #tpu.memory_space<hbm>>
    tpu.enqueue_indirect_dma source(%dma_start3A_104 : memref<10000x128xf32, #tpu.memory_space<hbm>>) target(%arg10 : memref<128x128xf32, #tpu.memory_space<vmem>>) offsets(%dma_start3A_97 : memref<128xi32, #tpu.memory_space<vmem>>) semaphore(%arg17 : memref<!tpu.dma_semaphore, #tpu.memory_space<semaphore_mem>>)
    %scan3A = arith.constant 0 : i32
    %scan3A_105 = arith.constant 20 : i32
    %scan3A_106 = arith.addi %scan3A, %scan3A_105 : i32
    %scan3A_107 = arith.constant 1 : i32
    scf.for %scan3A_122 = %scan3A to %scan3A_106 step %scan3A_107  : i32 {
      %mul3A_123 = arith.constant 4 : i32
      %mul3A_124 = arith.muli %scan3A_122, %mul3A_123 : i32
      %add3A = arith.constant 0 : i32
      %add3A_125 = arith.addi %add3A, %mul3A_124 : i32
      %add3A_126 = arith.constant 0 : i32
      %add3A_127 = arith.addi %add3A_125, %add3A_126 : i32
      %dma_wait3A_128 = arith.constant 0 : i32
      %dma_wait3A_129 = arith.constant 0 : i32
      %dma_wait3A_130 = tpu.memref_slice %arg6[%dma_wait3A_128, %dma_wait3A_129] : memref<2x128xi32, #tpu.memory_space<vmem>> -> memref<1x128xi32, #tpu.memory_space<vmem>>
      %dma_wait3A_131 = tpu.memref_squeeze %dma_wait3A_130 : memref<1x128xi32, #tpu.memory_space<vmem>> -> memref<128xi32, #tpu.memory_space<vmem>>
      %dma_wait3A_132 = arith.constant 0 : i32
      %dma_wait3A_133 = arith.constant 0 : i32
      %dma_wait3A_134 = tpu.memref_slice %arg3[%arg0, %dma_wait3A_132, %dma_wait3A_133] : memref<2x10000x128xf32, #tpu.memory_space<hbm>> -> memref<1x10000x128xf32, #tpu.memory_space<hbm>>
      %dma_wait3A_135 = tpu.memref_squeeze %dma_wait3A_134 : memref<1x10000x128xf32, #tpu.memory_space<hbm>> -> memref<10000x128xf32, #tpu.memory_space<hbm>>
      %dma_wait3A_136 = arith.constant 0 : i32
      %dma_wait3A_137 = arith.constant 0 : i32
      %dma_wait3A_138 = tpu.memref_slice %dma_wait3A_135[%dma_wait3A_136, %dma_wait3A_137] : memref<10000x128xf32, #tpu.memory_space<hbm>> -> memref<10000x128xf32, #tpu.memory_space<hbm>>
      tpu.wait_indirect_dma semaphore(%arg17 : memref<!tpu.dma_semaphore, #tpu.memory_space<semaphore_mem>>) src(%dma_wait3A_138 : memref<10000x128xf32, #tpu.memory_space<hbm>>) dst(%arg10 : memref<128x128xf32, #tpu.memory_space<vmem>>)
      %dma_start3A_139 = arith.constant 1 : i32
      %dma_start3A_140 = arith.constant 0 : i32
      %dma_start3A_141 = tpu.memref_slice %arg6[%dma_start3A_139, %dma_start3A_140] : memref<2x128xi32, #tpu.memory_space<vmem>> -> memref<1x128xi32, #tpu.memory_space<vmem>>
      %dma_start3A_142 = tpu.memref_squeeze %dma_start3A_141 : memref<1x128xi32, #tpu.memory_space<vmem>> -> memref<128xi32, #tpu.memory_space<vmem>>
      %dma_start3A_143 = arith.constant 0 : i32
      %dma_start3A_144 = arith.constant 0 : i32
      %dma_start3A_145 = tpu.memref_slice %arg12[%dma_start3A_143, %dma_start3A_144] : memref<10240x128xf32, #tpu.memory_space<vmem_shared>> -> memref<10240x128xf32, #tpu.memory_space<vmem_shared>>
      tpu.enqueue_indirect_dma source(%arg10 : memref<128x128xf32, #tpu.memory_space<vmem>>) target(%dma_start3A_145 : memref<10240x128xf32, #tpu.memory_space<vmem_shared>>) offsets(%dma_start3A_142 : memref<128xi32, #tpu.memory_space<vmem>>) semaphore(%arg19 : memref<!tpu.dma_semaphore, #tpu.memory_space<semaphore_mem>>) {add = true}
      %gt3A = arith.constant 0 : i32
      %gt3A_146 = arith.cmpi sgt, %add3A_127, %gt3A : i32
      %convert_element_type3A = arith.extui %gt3A_146 : i1 to i32
      %cond3A = arith.constant 0 : i32
      %cond3A_147 = arith.cmpi ne, %convert_element_type3A, %cond3A : i32
      scf.if %cond3A_147 {
        %dma_wait3A_297 = arith.constant 1 : i32
        %dma_wait3A_298 = arith.constant 0 : i32
        %dma_wait3A_299 = tpu.memref_slice %arg9[%dma_wait3A_297, %dma_wait3A_298] : memref<2x128xi32, #tpu.memory_space<vmem>> -> memref<1x128xi32, #tpu.memory_space<vmem>>
        %dma_wait3A_300 = tpu.memref_squeeze %dma_wait3A_299 : memref<1x128xi32, #tpu.memory_space<vmem>> -> memref<128xi32, #tpu.memory_space<vmem>>
        %dma_wait3A_301 = arith.constant 0 : i32
        %dma_wait3A_302 = arith.constant 0 : i32
        %dma_wait3A_303 = tpu.memref_slice %arg12[%dma_wait3A_301, %dma_wait3A_302] : memref<10240x128xf32, #tpu.memory_space<vmem_shared>> -> memref<10240x128xf32, #tpu.memory_space<vmem_shared>>
        tpu.wait_indirect_dma semaphore(%arg20 : memref<!tpu.dma_semaphore, #tpu.memory_space<semaphore_mem>>) src(%arg11 : memref<128x128xf32, #tpu.memory_space<vmem>>) dst(%dma_wait3A_303 : memref<10240x128xf32, #tpu.memory_space<vmem_shared>>)
      } else {
      }
      %gt3A_148 = arith.constant 0 : i32
      %gt3A_149 = arith.cmpi sgt, %add3A_127, %gt3A_148 : i32
      %add3A_150 = arith.constant 2 : i32
      %add3A_151 = arith.addi %add3A_127, %add3A_150 : i32
      %add3A_152 = arith.constant 1 : i32
      %add3A_153 = arith.addi %add3A_151, %add3A_152 : i32
      %lt3A = arith.constant 80 : i32
      %lt3A_154 = arith.cmpi slt, %add3A_153, %lt3A : i32
      %and3A = arith.andi %gt3A_149, %lt3A_154 : i1
      %convert_element_type3A_155 = arith.extui %and3A : i1 to i32
      %cond3A_156 = arith.constant 0 : i32
      %cond3A_157 = arith.cmpi ne, %convert_element_type3A_155, %cond3A_156 : i32
      scf.if %cond3A_157 {
        %add3A_297 = arith.constant 2 : i32
        %add3A_298 = arith.addi %add3A_127, %add3A_297 : i32
        %add3A_299 = arith.constant 1 : i32
        %add3A_300 = arith.addi %add3A_298, %add3A_299 : i32
        %dma_start3A_301 = arith.constant 0 : i32
        %dma_start3A_302 = arith.constant 0 : i32
        %dma_start3A_303 = arith.constant 0 : i32
        %dma_start3A_304 = tpu.memref_slice %arg2[%arg1, %dma_start3A_301, %dma_start3A_302, %dma_start3A_303] : memref<16x80x2x128xi32, #tpu.memory_space<hbm>> -> memref<1x80x2x128xi32, #tpu.memory_space<hbm>>
        %dma_start3A_305 = tpu.memref_squeeze %dma_start3A_304 : memref<1x80x2x128xi32, #tpu.memory_space<hbm>> -> memref<80x2x128xi32, #tpu.memory_space<hbm>>
        %dma_start3A_306 = arith.constant 0 : i32
        %dma_start3A_307 = arith.constant 0 : i32
        %dma_start3A_308 = tpu.memref_slice %dma_start3A_305[%add3A_300, %dma_start3A_306, %dma_start3A_307] : memref<80x2x128xi32, #tpu.memory_space<hbm>> -> memref<1x2x128xi32, #tpu.memory_space<hbm>>
        %dma_start3A_309 = tpu.memref_squeeze %dma_start3A_308 : memref<1x2x128xi32, #tpu.memory_space<hbm>> -> memref<2x128xi32, #tpu.memory_space<hbm>>
        %dma_start3A_310 = arith.constant 0 : i32
        %dma_start3A_311 = arith.constant 0 : i32
        %dma_start3A_312 = arith.constant 0 : i32
        %dma_start3A_313 = tpu.memref_slice %arg2[%arg1, %dma_start3A_310, %dma_start3A_311, %dma_start3A_312] : memref<16x80x2x128xi32, #tpu.memory_space<hbm>> -> memref<1x80x2x128xi32, #tpu.memory_space<hbm>>
        %dma_start3A_314 = tpu.memref_squeeze %dma_start3A_313 : memref<1x80x2x128xi32, #tpu.memory_space<hbm>> -> memref<80x2x128xi32, #tpu.memory_space<hbm>>
        %dma_start3A_315 = arith.constant 0 : i32
        %dma_start3A_316 = arith.constant 0 : i32
        %dma_start3A_317 = tpu.memref_slice %dma_start3A_314[%add3A_300, %dma_start3A_315, %dma_start3A_316] : memref<80x2x128xi32, #tpu.memory_space<hbm>> -> memref<1x2x128xi32, #tpu.memory_space<hbm>>
        %dma_start3A_318 = tpu.memref_squeeze %dma_start3A_317 : memref<1x2x128xi32, #tpu.memory_space<hbm>> -> memref<2x128xi32, #tpu.memory_space<hbm>>
        tpu.enqueue_dma source(%dma_start3A_318 : memref<2x128xi32, #tpu.memory_space<hbm>>) target(%arg9 : memref<2x128xi32, #tpu.memory_space<vmem>>) target_semaphore(%arg16 : memref<!tpu.dma_semaphore, #tpu.memory_space<semaphore_mem>>)
      } else {
      }
      %add3A_158 = arith.constant 1 : i32
      %add3A_159 = arith.addi %add3A_127, %add3A_158 : i32
      %lt3A_160 = arith.constant 80 : i32
      %lt3A_161 = arith.cmpi slt, %add3A_159, %lt3A_160 : i32
      %convert_element_type3A_162 = arith.extui %lt3A_161 : i1 to i32
      %cond3A_163 = arith.constant 0 : i32
      %cond3A_164 = arith.cmpi ne, %convert_element_type3A_162, %cond3A_163 : i32
      scf.if %cond3A_164 {
        %dma_wait3A_297 = arith.constant 0 : i32
        %dma_wait3A_298 = arith.constant 0 : i32
        %dma_wait3A_299 = arith.constant 0 : i32
        %dma_wait3A_300 = arith.constant 0 : i32
        %dma_wait3A_301 = tpu.memref_slice %arg2[%arg1, %dma_wait3A_298, %dma_wait3A_299, %dma_wait3A_300] : memref<16x80x2x128xi32, #tpu.memory_space<hbm>> -> memref<1x80x2x128xi32, #tpu.memory_space<hbm>>
        %dma_wait3A_302 = tpu.memref_squeeze %dma_wait3A_301 : memref<1x80x2x128xi32, #tpu.memory_space<hbm>> -> memref<80x2x128xi32, #tpu.memory_space<hbm>>
        %dma_wait3A_303 = arith.constant 0 : i32
        %dma_wait3A_304 = arith.constant 0 : i32
        %dma_wait3A_305 = tpu.memref_slice %dma_wait3A_302[%dma_wait3A_297, %dma_wait3A_303, %dma_wait3A_304] : memref<80x2x128xi32, #tpu.memory_space<hbm>> -> memref<1x2x128xi32, #tpu.memory_space<hbm>>
        %dma_wait3A_306 = tpu.memref_squeeze %dma_wait3A_305 : memref<1x2x128xi32, #tpu.memory_space<hbm>> -> memref<2x128xi32, #tpu.memory_space<hbm>>
        %dma_wait3A_307 = arith.constant 0 : i32
        %dma_wait3A_308 = arith.constant 0 : i32
        %dma_wait3A_309 = arith.constant 0 : i32
        %dma_wait3A_310 = tpu.memref_slice %arg2[%arg1, %dma_wait3A_307, %dma_wait3A_308, %dma_wait3A_309] : memref<16x80x2x128xi32, #tpu.memory_space<hbm>> -> memref<1x80x2x128xi32, #tpu.memory_space<hbm>>
        %dma_wait3A_311 = tpu.memref_squeeze %dma_wait3A_310 : memref<1x80x2x128xi32, #tpu.memory_space<hbm>> -> memref<80x2x128xi32, #tpu.memory_space<hbm>>
        %dma_wait3A_312 = arith.constant 0 : i32
        %dma_wait3A_313 = arith.constant 0 : i32
        %dma_wait3A_314 = tpu.memref_slice %dma_wait3A_311[%dma_wait3A_297, %dma_wait3A_312, %dma_wait3A_313] : memref<80x2x128xi32, #tpu.memory_space<hbm>> -> memref<1x2x128xi32, #tpu.memory_space<hbm>>
        %dma_wait3A_315 = tpu.memref_squeeze %dma_wait3A_314 : memref<1x2x128xi32, #tpu.memory_space<hbm>> -> memref<2x128xi32, #tpu.memory_space<hbm>>
        tpu.wait_dma2 semaphore(%arg14 : memref<!tpu.dma_semaphore, #tpu.memory_space<semaphore_mem>>) src(%dma_wait3A_315 : memref<2x128xi32, #tpu.memory_space<hbm>>) dst(%arg7 : memref<2x128xi32, #tpu.memory_space<vmem>>)
        %dma_start3A_316 = arith.constant 0 : i32
        %dma_start3A_317 = arith.constant 0 : i32
        %dma_start3A_318 = tpu.memref_slice %arg7[%dma_start3A_316, %dma_start3A_317] : memref<2x128xi32, #tpu.memory_space<vmem>> -> memref<1x128xi32, #tpu.memory_space<vmem>>
        %dma_start3A_319 = tpu.memref_squeeze %dma_start3A_318 : memref<1x128xi32, #tpu.memory_space<vmem>> -> memref<128xi32, #tpu.memory_space<vmem>>
        %dma_start3A_320 = arith.constant 0 : i32
        %dma_start3A_321 = arith.constant 0 : i32
        %dma_start3A_322 = tpu.memref_slice %arg3[%arg0, %dma_start3A_320, %dma_start3A_321] : memref<2x10000x128xf32, #tpu.memory_space<hbm>> -> memref<1x10000x128xf32, #tpu.memory_space<hbm>>
        %dma_start3A_323 = tpu.memref_squeeze %dma_start3A_322 : memref<1x10000x128xf32, #tpu.memory_space<hbm>> -> memref<10000x128xf32, #tpu.memory_space<hbm>>
        %dma_start3A_324 = arith.constant 0 : i32
        %dma_start3A_325 = arith.constant 0 : i32
        %dma_start3A_326 = tpu.memref_slice %dma_start3A_323[%dma_start3A_324, %dma_start3A_325] : memref<10000x128xf32, #tpu.memory_space<hbm>> -> memref<10000x128xf32, #tpu.memory_space<hbm>>
        tpu.enqueue_indirect_dma source(%dma_start3A_326 : memref<10000x128xf32, #tpu.memory_space<hbm>>) target(%arg11 : memref<128x128xf32, #tpu.memory_space<vmem>>) offsets(%dma_start3A_319 : memref<128xi32, #tpu.memory_space<vmem>>) semaphore(%arg18 : memref<!tpu.dma_semaphore, #tpu.memory_space<semaphore_mem>>)
      } else {
      }
      %add3A_165 = arith.constant 1 : i32
      %add3A_166 = arith.addi %add3A_125, %add3A_165 : i32
      %dma_wait3A_167 = arith.constant 0 : i32
      %dma_wait3A_168 = arith.constant 0 : i32
      %dma_wait3A_169 = tpu.memref_slice %arg7[%dma_wait3A_167, %dma_wait3A_168] : memref<2x128xi32, #tpu.memory_space<vmem>> -> memref<1x128xi32, #tpu.memory_space<vmem>>
      %dma_wait3A_170 = tpu.memref_squeeze %dma_wait3A_169 : memref<1x128xi32, #tpu.memory_space<vmem>> -> memref<128xi32, #tpu.memory_space<vmem>>
      %dma_wait3A_171 = arith.constant 0 : i32
      %dma_wait3A_172 = arith.constant 0 : i32
      %dma_wait3A_173 = tpu.memref_slice %arg3[%arg0, %dma_wait3A_171, %dma_wait3A_172] : memref<2x10000x128xf32, #tpu.memory_space<hbm>> -> memref<1x10000x128xf32, #tpu.memory_space<hbm>>
      %dma_wait3A_174 = tpu.memref_squeeze %dma_wait3A_173 : memref<1x10000x128xf32, #tpu.memory_space<hbm>> -> memref<10000x128xf32, #tpu.memory_space<hbm>>
      %dma_wait3A_175 = arith.constant 0 : i32
      %dma_wait3A_176 = arith.constant 0 : i32
      %dma_wait3A_177 = tpu.memref_slice %dma_wait3A_174[%dma_wait3A_175, %dma_wait3A_176] : memref<10000x128xf32, #tpu.memory_space<hbm>> -> memref<10000x128xf32, #tpu.memory_space<hbm>>
      tpu.wait_indirect_dma semaphore(%arg18 : memref<!tpu.dma_semaphore, #tpu.memory_space<semaphore_mem>>) src(%dma_wait3A_177 : memref<10000x128xf32, #tpu.memory_space<hbm>>) dst(%arg11 : memref<128x128xf32, #tpu.memory_space<vmem>>)
      %dma_start3A_178 = arith.constant 1 : i32
      %dma_start3A_179 = arith.constant 0 : i32
      %dma_start3A_180 = tpu.memref_slice %arg7[%dma_start3A_178, %dma_start3A_179] : memref<2x128xi32, #tpu.memory_space<vmem>> -> memref<1x128xi32, #tpu.memory_space<vmem>>
      %dma_start3A_181 = tpu.memref_squeeze %dma_start3A_180 : memref<1x128xi32, #tpu.memory_space<vmem>> -> memref<128xi32, #tpu.memory_space<vmem>>
      %dma_start3A_182 = arith.constant 0 : i32
      %dma_start3A_183 = arith.constant 0 : i32
      %dma_start3A_184 = tpu.memref_slice %arg12[%dma_start3A_182, %dma_start3A_183] : memref<10240x128xf32, #tpu.memory_space<vmem_shared>> -> memref<10240x128xf32, #tpu.memory_space<vmem_shared>>
      tpu.enqueue_indirect_dma source(%arg11 : memref<128x128xf32, #tpu.memory_space<vmem>>) target(%dma_start3A_184 : memref<10240x128xf32, #tpu.memory_space<vmem_shared>>) offsets(%dma_start3A_181 : memref<128xi32, #tpu.memory_space<vmem>>) semaphore(%arg20 : memref<!tpu.dma_semaphore, #tpu.memory_space<semaphore_mem>>) {add = true}
      %gt3A_185 = arith.constant 0 : i32
      %gt3A_186 = arith.cmpi sgt, %add3A_166, %gt3A_185 : i32
      %convert_element_type3A_187 = arith.extui %gt3A_186 : i1 to i32
      %cond3A_188 = arith.constant 0 : i32
      %cond3A_189 = arith.cmpi ne, %convert_element_type3A_187, %cond3A_188 : i32
      scf.if %cond3A_189 {
        %dma_wait3A_297 = arith.constant 1 : i32
        %dma_wait3A_298 = arith.constant 0 : i32
        %dma_wait3A_299 = tpu.memref_slice %arg6[%dma_wait3A_297, %dma_wait3A_298] : memref<2x128xi32, #tpu.memory_space<vmem>> -> memref<1x128xi32, #tpu.memory_space<vmem>>
        %dma_wait3A_300 = tpu.memref_squeeze %dma_wait3A_299 : memref<1x128xi32, #tpu.memory_space<vmem>> -> memref<128xi32, #tpu.memory_space<vmem>>
        %dma_wait3A_301 = arith.constant 0 : i32
        %dma_wait3A_302 = arith.constant 0 : i32
        %dma_wait3A_303 = tpu.memref_slice %arg12[%dma_wait3A_301, %dma_wait3A_302] : memref<10240x128xf32, #tpu.memory_space<vmem_shared>> -> memref<10240x128xf32, #tpu.memory_space<vmem_shared>>
        tpu.wait_indirect_dma semaphore(%arg19 : memref<!tpu.dma_semaphore, #tpu.memory_space<semaphore_mem>>) src(%arg10 : memref<128x128xf32, #tpu.memory_space<vmem>>) dst(%dma_wait3A_303 : memref<10240x128xf32, #tpu.memory_space<vmem_shared>>)
      } else {
      }
      %gt3A_190 = arith.constant 0 : i32
      %gt3A_191 = arith.cmpi sgt, %add3A_166, %gt3A_190 : i32
      %add3A_192 = arith.constant 2 : i32
      %add3A_193 = arith.addi %add3A_166, %add3A_192 : i32
      %add3A_194 = arith.constant 1 : i32
      %add3A_195 = arith.addi %add3A_193, %add3A_194 : i32
      %lt3A_196 = arith.constant 80 : i32
      %lt3A_197 = arith.cmpi slt, %add3A_195, %lt3A_196 : i32
      %and3A_198 = arith.andi %gt3A_191, %lt3A_197 : i1
      %convert_element_type3A_199 = arith.extui %and3A_198 : i1 to i32
      %cond3A_200 = arith.constant 0 : i32
      %cond3A_201 = arith.cmpi ne, %convert_element_type3A_199, %cond3A_200 : i32
      scf.if %cond3A_201 {
        %add3A_297 = arith.constant 2 : i32
        %add3A_298 = arith.addi %add3A_166, %add3A_297 : i32
        %add3A_299 = arith.constant 1 : i32
        %add3A_300 = arith.addi %add3A_298, %add3A_299 : i32
        %dma_start3A_301 = arith.constant 0 : i32
        %dma_start3A_302 = arith.constant 0 : i32
        %dma_start3A_303 = arith.constant 0 : i32
        %dma_start3A_304 = tpu.memref_slice %arg2[%arg1, %dma_start3A_301, %dma_start3A_302, %dma_start3A_303] : memref<16x80x2x128xi32, #tpu.memory_space<hbm>> -> memref<1x80x2x128xi32, #tpu.memory_space<hbm>>
        %dma_start3A_305 = tpu.memref_squeeze %dma_start3A_304 : memref<1x80x2x128xi32, #tpu.memory_space<hbm>> -> memref<80x2x128xi32, #tpu.memory_space<hbm>>
        %dma_start3A_306 = arith.constant 0 : i32
        %dma_start3A_307 = arith.constant 0 : i32
        %dma_start3A_308 = tpu.memref_slice %dma_start3A_305[%add3A_300, %dma_start3A_306, %dma_start3A_307] : memref<80x2x128xi32, #tpu.memory_space<hbm>> -> memref<1x2x128xi32, #tpu.memory_space<hbm>>
        %dma_start3A_309 = tpu.memref_squeeze %dma_start3A_308 : memref<1x2x128xi32, #tpu.memory_space<hbm>> -> memref<2x128xi32, #tpu.memory_space<hbm>>
        %dma_start3A_310 = arith.constant 0 : i32
        %dma_start3A_311 = arith.constant 0 : i32
        %dma_start3A_312 = arith.constant 0 : i32
        %dma_start3A_313 = tpu.memref_slice %arg2[%arg1, %dma_start3A_310, %dma_start3A_311, %dma_start3A_312] : memref<16x80x2x128xi32, #tpu.memory_space<hbm>> -> memref<1x80x2x128xi32, #tpu.memory_space<hbm>>
        %dma_start3A_314 = tpu.memref_squeeze %dma_start3A_313 : memref<1x80x2x128xi32, #tpu.memory_space<hbm>> -> memref<80x2x128xi32, #tpu.memory_space<hbm>>
        %dma_start3A_315 = arith.constant 0 : i32
        %dma_start3A_316 = arith.constant 0 : i32
        %dma_start3A_317 = tpu.memref_slice %dma_start3A_314[%add3A_300, %dma_start3A_315, %dma_start3A_316] : memref<80x2x128xi32, #tpu.memory_space<hbm>> -> memref<1x2x128xi32, #tpu.memory_space<hbm>>
        %dma_start3A_318 = tpu.memref_squeeze %dma_start3A_317 : memref<1x2x128xi32, #tpu.memory_space<hbm>> -> memref<2x128xi32, #tpu.memory_space<hbm>>
        tpu.enqueue_dma source(%dma_start3A_318 : memref<2x128xi32, #tpu.memory_space<hbm>>) target(%arg6 : memref<2x128xi32, #tpu.memory_space<vmem>>) target_semaphore(%arg13 : memref<!tpu.dma_semaphore, #tpu.memory_space<semaphore_mem>>)
      } else {
      }
      %add3A_202 = arith.constant 1 : i32
      %add3A_203 = arith.addi %add3A_166, %add3A_202 : i32
      %lt3A_204 = arith.constant 80 : i32
      %lt3A_205 = arith.cmpi slt, %add3A_203, %lt3A_204 : i32
      %convert_element_type3A_206 = arith.extui %lt3A_205 : i1 to i32
      %cond3A_207 = arith.constant 0 : i32
      %cond3A_208 = arith.cmpi ne, %convert_element_type3A_206, %cond3A_207 : i32
      scf.if %cond3A_208 {
        %dma_wait3A_297 = arith.constant 0 : i32
        %dma_wait3A_298 = arith.constant 0 : i32
        %dma_wait3A_299 = arith.constant 0 : i32
        %dma_wait3A_300 = arith.constant 0 : i32
        %dma_wait3A_301 = tpu.memref_slice %arg2[%arg1, %dma_wait3A_298, %dma_wait3A_299, %dma_wait3A_300] : memref<16x80x2x128xi32, #tpu.memory_space<hbm>> -> memref<1x80x2x128xi32, #tpu.memory_space<hbm>>
        %dma_wait3A_302 = tpu.memref_squeeze %dma_wait3A_301 : memref<1x80x2x128xi32, #tpu.memory_space<hbm>> -> memref<80x2x128xi32, #tpu.memory_space<hbm>>
        %dma_wait3A_303 = arith.constant 0 : i32
        %dma_wait3A_304 = arith.constant 0 : i32
        %dma_wait3A_305 = tpu.memref_slice %dma_wait3A_302[%dma_wait3A_297, %dma_wait3A_303, %dma_wait3A_304] : memref<80x2x128xi32, #tpu.memory_space<hbm>> -> memref<1x2x128xi32, #tpu.memory_space<hbm>>
        %dma_wait3A_306 = tpu.memref_squeeze %dma_wait3A_305 : memref<1x2x128xi32, #tpu.memory_space<hbm>> -> memref<2x128xi32, #tpu.memory_space<hbm>>
        %dma_wait3A_307 = arith.constant 0 : i32
        %dma_wait3A_308 = arith.constant 0 : i32
        %dma_wait3A_309 = arith.constant 0 : i32
        %dma_wait3A_310 = tpu.memref_slice %arg2[%arg1, %dma_wait3A_307, %dma_wait3A_308, %dma_wait3A_309] : memref<16x80x2x128xi32, #tpu.memory_space<hbm>> -> memref<1x80x2x128xi32, #tpu.memory_space<hbm>>
        %dma_wait3A_311 = tpu.memref_squeeze %dma_wait3A_310 : memref<1x80x2x128xi32, #tpu.memory_space<hbm>> -> memref<80x2x128xi32, #tpu.memory_space<hbm>>
        %dma_wait3A_312 = arith.constant 0 : i32
        %dma_wait3A_313 = arith.constant 0 : i32
        %dma_wait3A_314 = tpu.memref_slice %dma_wait3A_311[%dma_wait3A_297, %dma_wait3A_312, %dma_wait3A_313] : memref<80x2x128xi32, #tpu.memory_space<hbm>> -> memref<1x2x128xi32, #tpu.memory_space<hbm>>
        %dma_wait3A_315 = tpu.memref_squeeze %dma_wait3A_314 : memref<1x2x128xi32, #tpu.memory_space<hbm>> -> memref<2x128xi32, #tpu.memory_space<hbm>>
        tpu.wait_dma2 semaphore(%arg15 : memref<!tpu.dma_semaphore, #tpu.memory_space<semaphore_mem>>) src(%dma_wait3A_315 : memref<2x128xi32, #tpu.memory_space<hbm>>) dst(%arg8 : memref<2x128xi32, #tpu.memory_space<vmem>>)
        %dma_start3A_316 = arith.constant 0 : i32
        %dma_start3A_317 = arith.constant 0 : i32
        %dma_start3A_318 = tpu.memref_slice %arg8[%dma_start3A_316, %dma_start3A_317] : memref<2x128xi32, #tpu.memory_space<vmem>> -> memref<1x128xi32, #tpu.memory_space<vmem>>
        %dma_start3A_319 = tpu.memref_squeeze %dma_start3A_318 : memref<1x128xi32, #tpu.memory_space<vmem>> -> memref<128xi32, #tpu.memory_space<vmem>>
        %dma_start3A_320 = arith.constant 0 : i32
        %dma_start3A_321 = arith.constant 0 : i32
        %dma_start3A_322 = tpu.memref_slice %arg3[%arg0, %dma_start3A_320, %dma_start3A_321] : memref<2x10000x128xf32, #tpu.memory_space<hbm>> -> memref<1x10000x128xf32, #tpu.memory_space<hbm>>
        %dma_start3A_323 = tpu.memref_squeeze %dma_start3A_322 : memref<1x10000x128xf32, #tpu.memory_space<hbm>> -> memref<10000x128xf32, #tpu.memory_space<hbm>>
        %dma_start3A_324 = arith.constant 0 : i32
        %dma_start3A_325 = arith.constant 0 : i32
        %dma_start3A_326 = tpu.memref_slice %dma_start3A_323[%dma_start3A_324, %dma_start3A_325] : memref<10000x128xf32, #tpu.memory_space<hbm>> -> memref<10000x128xf32, #tpu.memory_space<hbm>>
        tpu.enqueue_indirect_dma source(%dma_start3A_326 : memref<10000x128xf32, #tpu.memory_space<hbm>>) target(%arg10 : memref<128x128xf32, #tpu.memory_space<vmem>>) offsets(%dma_start3A_319 : memref<128xi32, #tpu.memory_space<vmem>>) semaphore(%arg17 : memref<!tpu.dma_semaphore, #tpu.memory_space<semaphore_mem>>)
      } else {
      }
      %add3A_209 = arith.constant 2 : i32
      %add3A_210 = arith.addi %add3A_125, %add3A_209 : i32
      %dma_wait3A_211 = arith.constant 0 : i32
      %dma_wait3A_212 = arith.constant 0 : i32
      %dma_wait3A_213 = tpu.memref_slice %arg8[%dma_wait3A_211, %dma_wait3A_212] : memref<2x128xi32, #tpu.memory_space<vmem>> -> memref<1x128xi32, #tpu.memory_space<vmem>>
      %dma_wait3A_214 = tpu.memref_squeeze %dma_wait3A_213 : memref<1x128xi32, #tpu.memory_space<vmem>> -> memref<128xi32, #tpu.memory_space<vmem>>
      %dma_wait3A_215 = arith.constant 0 : i32
      %dma_wait3A_216 = arith.constant 0 : i32
      %dma_wait3A_217 = tpu.memref_slice %arg3[%arg0, %dma_wait3A_215, %dma_wait3A_216] : memref<2x10000x128xf32, #tpu.memory_space<hbm>> -> memref<1x10000x128xf32, #tpu.memory_space<hbm>>
      %dma_wait3A_218 = tpu.memref_squeeze %dma_wait3A_217 : memref<1x10000x128xf32, #tpu.memory_space<hbm>> -> memref<10000x128xf32, #tpu.memory_space<hbm>>
      %dma_wait3A_219 = arith.constant 0 : i32
      %dma_wait3A_220 = arith.constant 0 : i32
      %dma_wait3A_221 = tpu.memref_slice %dma_wait3A_218[%dma_wait3A_219, %dma_wait3A_220] : memref<10000x128xf32, #tpu.memory_space<hbm>> -> memref<10000x128xf32, #tpu.memory_space<hbm>>
      tpu.wait_indirect_dma semaphore(%arg17 : memref<!tpu.dma_semaphore, #tpu.memory_space<semaphore_mem>>) src(%dma_wait3A_221 : memref<10000x128xf32, #tpu.memory_space<hbm>>) dst(%arg10 : memref<128x128xf32, #tpu.memory_space<vmem>>)
      %dma_start3A_222 = arith.constant 1 : i32
      %dma_start3A_223 = arith.constant 0 : i32
      %dma_start3A_224 = tpu.memref_slice %arg8[%dma_start3A_222, %dma_start3A_223] : memref<2x128xi32, #tpu.memory_space<vmem>> -> memref<1x128xi32, #tpu.memory_space<vmem>>
      %dma_start3A_225 = tpu.memref_squeeze %dma_start3A_224 : memref<1x128xi32, #tpu.memory_space<vmem>> -> memref<128xi32, #tpu.memory_space<vmem>>
      %dma_start3A_226 = arith.constant 0 : i32
      %dma_start3A_227 = arith.constant 0 : i32
      %dma_start3A_228 = tpu.memref_slice %arg12[%dma_start3A_226, %dma_start3A_227] : memref<10240x128xf32, #tpu.memory_space<vmem_shared>> -> memref<10240x128xf32, #tpu.memory_space<vmem_shared>>
      tpu.enqueue_indirect_dma source(%arg10 : memref<128x128xf32, #tpu.memory_space<vmem>>) target(%dma_start3A_228 : memref<10240x128xf32, #tpu.memory_space<vmem_shared>>) offsets(%dma_start3A_225 : memref<128xi32, #tpu.memory_space<vmem>>) semaphore(%arg19 : memref<!tpu.dma_semaphore, #tpu.memory_space<semaphore_mem>>) {add = true}
      %gt3A_229 = arith.constant 0 : i32
      %gt3A_230 = arith.cmpi sgt, %add3A_210, %gt3A_229 : i32
      %convert_element_type3A_231 = arith.extui %gt3A_230 : i1 to i32
      %cond3A_232 = arith.constant 0 : i32
      %cond3A_233 = arith.cmpi ne, %convert_element_type3A_231, %cond3A_232 : i32
      scf.if %cond3A_233 {
        %dma_wait3A_297 = arith.constant 1 : i32
        %dma_wait3A_298 = arith.constant 0 : i32
        %dma_wait3A_299 = tpu.memref_slice %arg7[%dma_wait3A_297, %dma_wait3A_298] : memref<2x128xi32, #tpu.memory_space<vmem>> -> memref<1x128xi32, #tpu.memory_space<vmem>>
        %dma_wait3A_300 = tpu.memref_squeeze %dma_wait3A_299 : memref<1x128xi32, #tpu.memory_space<vmem>> -> memref<128xi32, #tpu.memory_space<vmem>>
        %dma_wait3A_301 = arith.constant 0 : i32
        %dma_wait3A_302 = arith.constant 0 : i32
        %dma_wait3A_303 = tpu.memref_slice %arg12[%dma_wait3A_301, %dma_wait3A_302] : memref<10240x128xf32, #tpu.memory_space<vmem_shared>> -> memref<10240x128xf32, #tpu.memory_space<vmem_shared>>
        tpu.wait_indirect_dma semaphore(%arg20 : memref<!tpu.dma_semaphore, #tpu.memory_space<semaphore_mem>>) src(%arg11 : memref<128x128xf32, #tpu.memory_space<vmem>>) dst(%dma_wait3A_303 : memref<10240x128xf32, #tpu.memory_space<vmem_shared>>)
      } else {
      }
      %gt3A_234 = arith.constant 0 : i32
      %gt3A_235 = arith.cmpi sgt, %add3A_210, %gt3A_234 : i32
      %add3A_236 = arith.constant 2 : i32
      %add3A_237 = arith.addi %add3A_210, %add3A_236 : i32
      %add3A_238 = arith.constant 1 : i32
      %add3A_239 = arith.addi %add3A_237, %add3A_238 : i32
      %lt3A_240 = arith.constant 80 : i32
      %lt3A_241 = arith.cmpi slt, %add3A_239, %lt3A_240 : i32
      %and3A_242 = arith.andi %gt3A_235, %lt3A_241 : i1
      %convert_element_type3A_243 = arith.extui %and3A_242 : i1 to i32
      %cond3A_244 = arith.constant 0 : i32
      %cond3A_245 = arith.cmpi ne, %convert_element_type3A_243, %cond3A_244 : i32
      scf.if %cond3A_245 {
        %add3A_297 = arith.constant 2 : i32
        %add3A_298 = arith.addi %add3A_210, %add3A_297 : i32
        %add3A_299 = arith.constant 1 : i32
        %add3A_300 = arith.addi %add3A_298, %add3A_299 : i32
        %dma_start3A_301 = arith.constant 0 : i32
        %dma_start3A_302 = arith.constant 0 : i32
        %dma_start3A_303 = arith.constant 0 : i32
        %dma_start3A_304 = tpu.memref_slice %arg2[%arg1, %dma_start3A_301, %dma_start3A_302, %dma_start3A_303] : memref<16x80x2x128xi32, #tpu.memory_space<hbm>> -> memref<1x80x2x128xi32, #tpu.memory_space<hbm>>
        %dma_start3A_305 = tpu.memref_squeeze %dma_start3A_304 : memref<1x80x2x128xi32, #tpu.memory_space<hbm>> -> memref<80x2x128xi32, #tpu.memory_space<hbm>>
        %dma_start3A_306 = arith.constant 0 : i32
        %dma_start3A_307 = arith.constant 0 : i32
        %dma_start3A_308 = tpu.memref_slice %dma_start3A_305[%add3A_300, %dma_start3A_306, %dma_start3A_307] : memref<80x2x128xi32, #tpu.memory_space<hbm>> -> memref<1x2x128xi32, #tpu.memory_space<hbm>>
        %dma_start3A_309 = tpu.memref_squeeze %dma_start3A_308 : memref<1x2x128xi32, #tpu.memory_space<hbm>> -> memref<2x128xi32, #tpu.memory_space<hbm>>
        %dma_start3A_310 = arith.constant 0 : i32
        %dma_start3A_311 = arith.constant 0 : i32
        %dma_start3A_312 = arith.constant 0 : i32
        %dma_start3A_313 = tpu.memref_slice %arg2[%arg1, %dma_start3A_310, %dma_start3A_311, %dma_start3A_312] : memref<16x80x2x128xi32, #tpu.memory_space<hbm>> -> memref<1x80x2x128xi32, #tpu.memory_space<hbm>>
        %dma_start3A_314 = tpu.memref_squeeze %dma_start3A_313 : memref<1x80x2x128xi32, #tpu.memory_space<hbm>> -> memref<80x2x128xi32, #tpu.memory_space<hbm>>
        %dma_start3A_315 = arith.constant 0 : i32
        %dma_start3A_316 = arith.constant 0 : i32
        %dma_start3A_317 = tpu.memref_slice %dma_start3A_314[%add3A_300, %dma_start3A_315, %dma_start3A_316] : memref<80x2x128xi32, #tpu.memory_space<hbm>> -> memref<1x2x128xi32, #tpu.memory_space<hbm>>
        %dma_start3A_318 = tpu.memref_squeeze %dma_start3A_317 : memref<1x2x128xi32, #tpu.memory_space<hbm>> -> memref<2x128xi32, #tpu.memory_space<hbm>>
        tpu.enqueue_dma source(%dma_start3A_318 : memref<2x128xi32, #tpu.memory_space<hbm>>) target(%arg7 : memref<2x128xi32, #tpu.memory_space<vmem>>) target_semaphore(%arg14 : memref<!tpu.dma_semaphore, #tpu.memory_space<semaphore_mem>>)
      } else {
      }
      %add3A_246 = arith.constant 1 : i32
      %add3A_247 = arith.addi %add3A_210, %add3A_246 : i32
      %lt3A_248 = arith.constant 80 : i32
      %lt3A_249 = arith.cmpi slt, %add3A_247, %lt3A_248 : i32
      %convert_element_type3A_250 = arith.extui %lt3A_249 : i1 to i32
      %cond3A_251 = arith.constant 0 : i32
      %cond3A_252 = arith.cmpi ne, %convert_element_type3A_250, %cond3A_251 : i32
      scf.if %cond3A_252 {
        %dma_wait3A_297 = arith.constant 0 : i32
        %dma_wait3A_298 = arith.constant 0 : i32
        %dma_wait3A_299 = arith.constant 0 : i32
        %dma_wait3A_300 = arith.constant 0 : i32
        %dma_wait3A_301 = tpu.memref_slice %arg2[%arg1, %dma_wait3A_298, %dma_wait3A_299, %dma_wait3A_300] : memref<16x80x2x128xi32, #tpu.memory_space<hbm>> -> memref<1x80x2x128xi32, #tpu.memory_space<hbm>>
        %dma_wait3A_302 = tpu.memref_squeeze %dma_wait3A_301 : memref<1x80x2x128xi32, #tpu.memory_space<hbm>> -> memref<80x2x128xi32, #tpu.memory_space<hbm>>
        %dma_wait3A_303 = arith.constant 0 : i32
        %dma_wait3A_304 = arith.constant 0 : i32
        %dma_wait3A_305 = tpu.memref_slice %dma_wait3A_302[%dma_wait3A_297, %dma_wait3A_303, %dma_wait3A_304] : memref<80x2x128xi32, #tpu.memory_space<hbm>> -> memref<1x2x128xi32, #tpu.memory_space<hbm>>
        %dma_wait3A_306 = tpu.memref_squeeze %dma_wait3A_305 : memref<1x2x128xi32, #tpu.memory_space<hbm>> -> memref<2x128xi32, #tpu.memory_space<hbm>>
        %dma_wait3A_307 = arith.constant 0 : i32
        %dma_wait3A_308 = arith.constant 0 : i32
        %dma_wait3A_309 = arith.constant 0 : i32
        %dma_wait3A_310 = tpu.memref_slice %arg2[%arg1, %dma_wait3A_307, %dma_wait3A_308, %dma_wait3A_309] : memref<16x80x2x128xi32, #tpu.memory_space<hbm>> -> memref<1x80x2x128xi32, #tpu.memory_space<hbm>>
        %dma_wait3A_311 = tpu.memref_squeeze %dma_wait3A_310 : memref<1x80x2x128xi32, #tpu.memory_space<hbm>> -> memref<80x2x128xi32, #tpu.memory_space<hbm>>
        %dma_wait3A_312 = arith.constant 0 : i32
        %dma_wait3A_313 = arith.constant 0 : i32
        %dma_wait3A_314 = tpu.memref_slice %dma_wait3A_311[%dma_wait3A_297, %dma_wait3A_312, %dma_wait3A_313] : memref<80x2x128xi32, #tpu.memory_space<hbm>> -> memref<1x2x128xi32, #tpu.memory_space<hbm>>
        %dma_wait3A_315 = tpu.memref_squeeze %dma_wait3A_314 : memref<1x2x128xi32, #tpu.memory_space<hbm>> -> memref<2x128xi32, #tpu.memory_space<hbm>>
        tpu.wait_dma2 semaphore(%arg16 : memref<!tpu.dma_semaphore, #tpu.memory_space<semaphore_mem>>) src(%dma_wait3A_315 : memref<2x128xi32, #tpu.memory_space<hbm>>) dst(%arg9 : memref<2x128xi32, #tpu.memory_space<vmem>>)
        %dma_start3A_316 = arith.constant 0 : i32
        %dma_start3A_317 = arith.constant 0 : i32
        %dma_start3A_318 = tpu.memref_slice %arg9[%dma_start3A_316, %dma_start3A_317] : memref<2x128xi32, #tpu.memory_space<vmem>> -> memref<1x128xi32, #tpu.memory_space<vmem>>
        %dma_start3A_319 = tpu.memref_squeeze %dma_start3A_318 : memref<1x128xi32, #tpu.memory_space<vmem>> -> memref<128xi32, #tpu.memory_space<vmem>>
        %dma_start3A_320 = arith.constant 0 : i32
        %dma_start3A_321 = arith.constant 0 : i32
        %dma_start3A_322 = tpu.memref_slice %arg3[%arg0, %dma_start3A_320, %dma_start3A_321] : memref<2x10000x128xf32, #tpu.memory_space<hbm>> -> memref<1x10000x128xf32, #tpu.memory_space<hbm>>
        %dma_start3A_323 = tpu.memref_squeeze %dma_start3A_322 : memref<1x10000x128xf32, #tpu.memory_space<hbm>> -> memref<10000x128xf32, #tpu.memory_space<hbm>>
        %dma_start3A_324 = arith.constant 0 : i32
        %dma_start3A_325 = arith.constant 0 : i32
        %dma_start3A_326 = tpu.memref_slice %dma_start3A_323[%dma_start3A_324, %dma_start3A_325] : memref<10000x128xf32, #tpu.memory_space<hbm>> -> memref<10000x128xf32, #tpu.memory_space<hbm>>
        tpu.enqueue_indirect_dma source(%dma_start3A_326 : memref<10000x128xf32, #tpu.memory_space<hbm>>) target(%arg11 : memref<128x128xf32, #tpu.memory_space<vmem>>) offsets(%dma_start3A_319 : memref<128xi32, #tpu.memory_space<vmem>>) semaphore(%arg18 : memref<!tpu.dma_semaphore, #tpu.memory_space<semaphore_mem>>)
      } else {
      }
      %add3A_253 = arith.constant 3 : i32
      %add3A_254 = arith.addi %add3A_125, %add3A_253 : i32
      %dma_wait3A_255 = arith.constant 0 : i32
      %dma_wait3A_256 = arith.constant 0 : i32
      %dma_wait3A_257 = tpu.memref_slice %arg9[%dma_wait3A_255, %dma_wait3A_256] : memref<2x128xi32, #tpu.memory_space<vmem>> -> memref<1x128xi32, #tpu.memory_space<vmem>>
      %dma_wait3A_258 = tpu.memref_squeeze %dma_wait3A_257 : memref<1x128xi32, #tpu.memory_space<vmem>> -> memref<128xi32, #tpu.memory_space<vmem>>
      %dma_wait3A_259 = arith.constant 0 : i32
      %dma_wait3A_260 = arith.constant 0 : i32
      %dma_wait3A_261 = tpu.memref_slice %arg3[%arg0, %dma_wait3A_259, %dma_wait3A_260] : memref<2x10000x128xf32, #tpu.memory_space<hbm>> -> memref<1x10000x128xf32, #tpu.memory_space<hbm>>
      %dma_wait3A_262 = tpu.memref_squeeze %dma_wait3A_261 : memref<1x10000x128xf32, #tpu.memory_space<hbm>> -> memref<10000x128xf32, #tpu.memory_space<hbm>>
      %dma_wait3A_263 = arith.constant 0 : i32
      %dma_wait3A_264 = arith.constant 0 : i32
      %dma_wait3A_265 = tpu.memref_slice %dma_wait3A_262[%dma_wait3A_263, %dma_wait3A_264] : memref<10000x128xf32, #tpu.memory_space<hbm>> -> memref<10000x128xf32, #tpu.memory_space<hbm>>
      tpu.wait_indirect_dma semaphore(%arg18 : memref<!tpu.dma_semaphore, #tpu.memory_space<semaphore_mem>>) src(%dma_wait3A_265 : memref<10000x128xf32, #tpu.memory_space<hbm>>) dst(%arg11 : memref<128x128xf32, #tpu.memory_space<vmem>>)
      %dma_start3A_266 = arith.constant 1 : i32
      %dma_start3A_267 = arith.constant 0 : i32
      %dma_start3A_268 = tpu.memref_slice %arg9[%dma_start3A_266, %dma_start3A_267] : memref<2x128xi32, #tpu.memory_space<vmem>> -> memref<1x128xi32, #tpu.memory_space<vmem>>
      %dma_start3A_269 = tpu.memref_squeeze %dma_start3A_268 : memref<1x128xi32, #tpu.memory_space<vmem>> -> memref<128xi32, #tpu.memory_space<vmem>>
      %dma_start3A_270 = arith.constant 0 : i32
      %dma_start3A_271 = arith.constant 0 : i32
      %dma_start3A_272 = tpu.memref_slice %arg12[%dma_start3A_270, %dma_start3A_271] : memref<10240x128xf32, #tpu.memory_space<vmem_shared>> -> memref<10240x128xf32, #tpu.memory_space<vmem_shared>>
      tpu.enqueue_indirect_dma source(%arg11 : memref<128x128xf32, #tpu.memory_space<vmem>>) target(%dma_start3A_272 : memref<10240x128xf32, #tpu.memory_space<vmem_shared>>) offsets(%dma_start3A_269 : memref<128xi32, #tpu.memory_space<vmem>>) semaphore(%arg20 : memref<!tpu.dma_semaphore, #tpu.memory_space<semaphore_mem>>) {add = true}
      %gt3A_273 = arith.constant 0 : i32
      %gt3A_274 = arith.cmpi sgt, %add3A_254, %gt3A_273 : i32
      %convert_element_type3A_275 = arith.extui %gt3A_274 : i1 to i32
      %cond3A_276 = arith.constant 0 : i32
      %cond3A_277 = arith.cmpi ne, %convert_element_type3A_275, %cond3A_276 : i32
      scf.if %cond3A_277 {
        %dma_wait3A_297 = arith.constant 1 : i32
        %dma_wait3A_298 = arith.constant 0 : i32
        %dma_wait3A_299 = tpu.memref_slice %arg8[%dma_wait3A_297, %dma_wait3A_298] : memref<2x128xi32, #tpu.memory_space<vmem>> -> memref<1x128xi32, #tpu.memory_space<vmem>>
        %dma_wait3A_300 = tpu.memref_squeeze %dma_wait3A_299 : memref<1x128xi32, #tpu.memory_space<vmem>> -> memref<128xi32, #tpu.memory_space<vmem>>
        %dma_wait3A_301 = arith.constant 0 : i32
        %dma_wait3A_302 = arith.constant 0 : i32
        %dma_wait3A_303 = tpu.memref_slice %arg12[%dma_wait3A_301, %dma_wait3A_302] : memref<10240x128xf32, #tpu.memory_space<vmem_shared>> -> memref<10240x128xf32, #tpu.memory_space<vmem_shared>>
        tpu.wait_indirect_dma semaphore(%arg19 : memref<!tpu.dma_semaphore, #tpu.memory_space<semaphore_mem>>) src(%arg10 : memref<128x128xf32, #tpu.memory_space<vmem>>) dst(%dma_wait3A_303 : memref<10240x128xf32, #tpu.memory_space<vmem_shared>>)
      } else {
      }
      %gt3A_278 = arith.constant 0 : i32
      %gt3A_279 = arith.cmpi sgt, %add3A_254, %gt3A_278 : i32
      %add3A_280 = arith.constant 2 : i32
      %add3A_281 = arith.addi %add3A_254, %add3A_280 : i32
      %add3A_282 = arith.constant 1 : i32
      %add3A_283 = arith.addi %add3A_281, %add3A_282 : i32
      %lt3A_284 = arith.constant 80 : i32
      %lt3A_285 = arith.cmpi slt, %add3A_283, %lt3A_284 : i32
      %and3A_286 = arith.andi %gt3A_279, %lt3A_285 : i1
      %convert_element_type3A_287 = arith.extui %and3A_286 : i1 to i32
      %cond3A_288 = arith.constant 0 : i32
      %cond3A_289 = arith.cmpi ne, %convert_element_type3A_287, %cond3A_288 : i32
      scf.if %cond3A_289 {
        %add3A_297 = arith.constant 2 : i32
        %add3A_298 = arith.addi %add3A_254, %add3A_297 : i32
        %add3A_299 = arith.constant 1 : i32
        %add3A_300 = arith.addi %add3A_298, %add3A_299 : i32
        %dma_start3A_301 = arith.constant 0 : i32
        %dma_start3A_302 = arith.constant 0 : i32
        %dma_start3A_303 = arith.constant 0 : i32
        %dma_start3A_304 = tpu.memref_slice %arg2[%arg1, %dma_start3A_301, %dma_start3A_302, %dma_start3A_303] : memref<16x80x2x128xi32, #tpu.memory_space<hbm>> -> memref<1x80x2x128xi32, #tpu.memory_space<hbm>>
        %dma_start3A_305 = tpu.memref_squeeze %dma_start3A_304 : memref<1x80x2x128xi32, #tpu.memory_space<hbm>> -> memref<80x2x128xi32, #tpu.memory_space<hbm>>
        %dma_start3A_306 = arith.constant 0 : i32
        %dma_start3A_307 = arith.constant 0 : i32
        %dma_start3A_308 = tpu.memref_slice %dma_start3A_305[%add3A_300, %dma_start3A_306, %dma_start3A_307] : memref<80x2x128xi32, #tpu.memory_space<hbm>> -> memref<1x2x128xi32, #tpu.memory_space<hbm>>
        %dma_start3A_309 = tpu.memref_squeeze %dma_start3A_308 : memref<1x2x128xi32, #tpu.memory_space<hbm>> -> memref<2x128xi32, #tpu.memory_space<hbm>>
        %dma_start3A_310 = arith.constant 0 : i32
        %dma_start3A_311 = arith.constant 0 : i32
        %dma_start3A_312 = arith.constant 0 : i32
        %dma_start3A_313 = tpu.memref_slice %arg2[%arg1, %dma_start3A_310, %dma_start3A_311, %dma_start3A_312] : memref<16x80x2x128xi32, #tpu.memory_space<hbm>> -> memref<1x80x2x128xi32, #tpu.memory_space<hbm>>
        %dma_start3A_314 = tpu.memref_squeeze %dma_start3A_313 : memref<1x80x2x128xi32, #tpu.memory_space<hbm>> -> memref<80x2x128xi32, #tpu.memory_space<hbm>>
        %dma_start3A_315 = arith.constant 0 : i32
        %dma_start3A_316 = arith.constant 0 : i32
        %dma_start3A_317 = tpu.memref_slice %dma_start3A_314[%add3A_300, %dma_start3A_315, %dma_start3A_316] : memref<80x2x128xi32, #tpu.memory_space<hbm>> -> memref<1x2x128xi32, #tpu.memory_space<hbm>>
        %dma_start3A_318 = tpu.memref_squeeze %dma_start3A_317 : memref<1x2x128xi32, #tpu.memory_space<hbm>> -> memref<2x128xi32, #tpu.memory_space<hbm>>
        tpu.enqueue_dma source(%dma_start3A_318 : memref<2x128xi32, #tpu.memory_space<hbm>>) target(%arg8 : memref<2x128xi32, #tpu.memory_space<vmem>>) target_semaphore(%arg15 : memref<!tpu.dma_semaphore, #tpu.memory_space<semaphore_mem>>)
      } else {
      }
      %add3A_290 = arith.constant 1 : i32
      %add3A_291 = arith.addi %add3A_254, %add3A_290 : i32
      %lt3A_292 = arith.constant 80 : i32
      %lt3A_293 = arith.cmpi slt, %add3A_291, %lt3A_292 : i32
      %convert_element_type3A_294 = arith.extui %lt3A_293 : i1 to i32
      %cond3A_295 = arith.constant 0 : i32
      %cond3A_296 = arith.cmpi ne, %convert_element_type3A_294, %cond3A_295 : i32
      scf.if %cond3A_296 {
        %dma_wait3A_297 = arith.constant 0 : i32
        %dma_wait3A_298 = arith.constant 0 : i32
        %dma_wait3A_299 = arith.constant 0 : i32
        %dma_wait3A_300 = arith.constant 0 : i32
        %dma_wait3A_301 = tpu.memref_slice %arg2[%arg1, %dma_wait3A_298, %dma_wait3A_299, %dma_wait3A_300] : memref<16x80x2x128xi32, #tpu.memory_space<hbm>> -> memref<1x80x2x128xi32, #tpu.memory_space<hbm>>
        %dma_wait3A_302 = tpu.memref_squeeze %dma_wait3A_301 : memref<1x80x2x128xi32, #tpu.memory_space<hbm>> -> memref<80x2x128xi32, #tpu.memory_space<hbm>>
        %dma_wait3A_303 = arith.constant 0 : i32
        %dma_wait3A_304 = arith.constant 0 : i32
        %dma_wait3A_305 = tpu.memref_slice %dma_wait3A_302[%dma_wait3A_297, %dma_wait3A_303, %dma_wait3A_304] : memref<80x2x128xi32, #tpu.memory_space<hbm>> -> memref<1x2x128xi32, #tpu.memory_space<hbm>>
        %dma_wait3A_306 = tpu.memref_squeeze %dma_wait3A_305 : memref<1x2x128xi32, #tpu.memory_space<hbm>> -> memref<2x128xi32, #tpu.memory_space<hbm>>
        %dma_wait3A_307 = arith.constant 0 : i32
        %dma_wait3A_308 = arith.constant 0 : i32
        %dma_wait3A_309 = arith.constant 0 : i32
        %dma_wait3A_310 = tpu.memref_slice %arg2[%arg1, %dma_wait3A_307, %dma_wait3A_308, %dma_wait3A_309] : memref<16x80x2x128xi32, #tpu.memory_space<hbm>> -> memref<1x80x2x128xi32, #tpu.memory_space<hbm>>
        %dma_wait3A_311 = tpu.memref_squeeze %dma_wait3A_310 : memref<1x80x2x128xi32, #tpu.memory_space<hbm>> -> memref<80x2x128xi32, #tpu.memory_space<hbm>>
        %dma_wait3A_312 = arith.constant 0 : i32
        %dma_wait3A_313 = arith.constant 0 : i32
        %dma_wait3A_314 = tpu.memref_slice %dma_wait3A_311[%dma_wait3A_297, %dma_wait3A_312, %dma_wait3A_313] : memref<80x2x128xi32, #tpu.memory_space<hbm>> -> memref<1x2x128xi32, #tpu.memory_space<hbm>>
        %dma_wait3A_315 = tpu.memref_squeeze %dma_wait3A_314 : memref<1x2x128xi32, #tpu.memory_space<hbm>> -> memref<2x128xi32, #tpu.memory_space<hbm>>
        tpu.wait_dma2 semaphore(%arg13 : memref<!tpu.dma_semaphore, #tpu.memory_space<semaphore_mem>>) src(%dma_wait3A_315 : memref<2x128xi32, #tpu.memory_space<hbm>>) dst(%arg6 : memref<2x128xi32, #tpu.memory_space<vmem>>)
        %dma_start3A_316 = arith.constant 0 : i32
        %dma_start3A_317 = arith.constant 0 : i32
        %dma_start3A_318 = tpu.memref_slice %arg6[%dma_start3A_316, %dma_start3A_317] : memref<2x128xi32, #tpu.memory_space<vmem>> -> memref<1x128xi32, #tpu.memory_space<vmem>>
        %dma_start3A_319 = tpu.memref_squeeze %dma_start3A_318 : memref<1x128xi32, #tpu.memory_space<vmem>> -> memref<128xi32, #tpu.memory_space<vmem>>
        %dma_start3A_320 = arith.constant 0 : i32
        %dma_start3A_321 = arith.constant 0 : i32
        %dma_start3A_322 = tpu.memref_slice %arg3[%arg0, %dma_start3A_320, %dma_start3A_321] : memref<2x10000x128xf32, #tpu.memory_space<hbm>> -> memref<1x10000x128xf32, #tpu.memory_space<hbm>>
        %dma_start3A_323 = tpu.memref_squeeze %dma_start3A_322 : memref<1x10000x128xf32, #tpu.memory_space<hbm>> -> memref<10000x128xf32, #tpu.memory_space<hbm>>
        %dma_start3A_324 = arith.constant 0 : i32
        %dma_start3A_325 = arith.constant 0 : i32
        %dma_start3A_326 = tpu.memref_slice %dma_start3A_323[%dma_start3A_324, %dma_start3A_325] : memref<10000x128xf32, #tpu.memory_space<hbm>> -> memref<10000x128xf32, #tpu.memory_space<hbm>>
        tpu.enqueue_indirect_dma source(%dma_start3A_326 : memref<10000x128xf32, #tpu.memory_space<hbm>>) target(%arg10 : memref<128x128xf32, #tpu.memory_space<vmem>>) offsets(%dma_start3A_319 : memref<128xi32, #tpu.memory_space<vmem>>) semaphore(%arg17 : memref<!tpu.dma_semaphore, #tpu.memory_space<semaphore_mem>>)
      } else {
      }
    }
    %scan3A_108 = arith.constant 20 : i32
    %dma_wait3A_109 = arith.constant 1 : i32
    %dma_wait3A_110 = arith.constant 0 : i32
    %dma_wait3A_111 = tpu.memref_slice %arg9[%dma_wait3A_109, %dma_wait3A_110] : memref<2x128xi32, #tpu.memory_space<vmem>> -> memref<1x128xi32, #tpu.memory_space<vmem>>
    %dma_wait3A_112 = tpu.memref_squeeze %dma_wait3A_111 : memref<1x128xi32, #tpu.memory_space<vmem>> -> memref<128xi32, #tpu.memory_space<vmem>>
    %dma_wait3A_113 = arith.constant 0 : i32
    %dma_wait3A_114 = arith.constant 0 : i32
    %dma_wait3A_115 = tpu.memref_slice %arg12[%dma_wait3A_113, %dma_wait3A_114] : memref<10240x128xf32, #tpu.memory_space<vmem_shared>> -> memref<10240x128xf32, #tpu.memory_space<vmem_shared>>
    tpu.wait_indirect_dma semaphore(%arg20 : memref<!tpu.dma_semaphore, #tpu.memory_space<semaphore_mem>>) src(%arg11 : memref<128x128xf32, #tpu.memory_space<vmem>>) dst(%dma_wait3A_115 : memref<10240x128xf32, #tpu.memory_space<vmem_shared>>)
    %barrier3A_116 = arith.constant 0 : index
    tpu.barrier barrier_id(%barrier3A_116)
    %scan3A_117 = arith.constant 0 : i32
    %scan3A_118 = arith.constant 5 : i32
    %scan3A_119 = arith.addi %scan3A_117, %scan3A_118 : i32
    %scan3A_120 = arith.constant 1 : i32
    scf.for %scan3A_122 = %scan3A_117 to %scan3A_119 step %scan3A_120  : i32 {
      %mul3A_123 = arith.constant 1 : i32
      %mul3A_124 = arith.muli %scan3A_122, %mul3A_123 : i32
      %add3A = arith.constant 0 : i32
      %add3A_125 = arith.addi %add3A, %mul3A_124 : i32
      %mul3A_126 = arith.constant 640 : i32
      %mul3A_127 = arith.muli %arg1, %mul3A_126 : i32
      %mul3A_128 = arith.constant 128 : i32
      %mul3A_129 = arith.muli %add3A_125, %mul3A_128 : i32
      %add3A_130 = arith.addi %mul3A_127, %mul3A_129 : i32
      "tpu.region"() ({
        %run_scoped3A = tpu.sem_alloc : memref<!tpu.dma_semaphore, #tpu.memory_space<semaphore_mem>>
        %dma_start3A_131 = arith.constant 0 : i32
        %dma_start3A_132 = arith.constant 0 : i32
        %dma_start3A_133 = tpu.memref_slice %arg10[%dma_start3A_131, %dma_start3A_132] : memref<128x128xf32, #tpu.memory_space<vmem>> -> memref<128x128xf32, #tpu.memory_space<vmem>>
        %dma_start3A_134 = arith.constant 0 : i32
        %dma_start3A_135 = tpu.memref_slice %arg12[%add3A_130, %dma_start3A_134] : memref<10240x128xf32, #tpu.memory_space<vmem_shared>> -> memref<128x128xf32, #tpu.memory_space<vmem_shared>>
        %dma_start3A_136 = arith.constant 0 : i32
        %dma_start3A_137 = arith.constant 0 : i32
        %dma_start3A_138 = tpu.memref_slice %arg10[%dma_start3A_136, %dma_start3A_137] : memref<128x128xf32, #tpu.memory_space<vmem>> -> memref<128x128xf32, #tpu.memory_space<vmem>>
        %dma_start3A_139 = arith.constant 0 : i32
        %dma_start3A_140 = tpu.memref_slice %arg12[%add3A_130, %dma_start3A_139] : memref<10240x128xf32, #tpu.memory_space<vmem_shared>> -> memref<128x128xf32, #tpu.memory_space<vmem_shared>>
        tpu.enqueue_dma source(%dma_start3A_140 : memref<128x128xf32, #tpu.memory_space<vmem_shared>>) target(%dma_start3A_138 : memref<128x128xf32, #tpu.memory_space<vmem>>) target_semaphore(%run_scoped3A : memref<!tpu.dma_semaphore, #tpu.memory_space<semaphore_mem>>)
        %dma_wait3A_141 = arith.constant 0 : i32
        %dma_wait3A_142 = arith.constant 0 : i32
        %dma_wait3A_143 = tpu.memref_slice %arg10[%dma_wait3A_141, %dma_wait3A_142] : memref<128x128xf32, #tpu.memory_space<vmem>> -> memref<128x128xf32, #tpu.memory_space<vmem>>
        %dma_wait3A_144 = arith.constant 0 : i32
        %dma_wait3A_145 = tpu.memref_slice %arg12[%add3A_130, %dma_wait3A_144] : memref<10240x128xf32, #tpu.memory_space<vmem_shared>> -> memref<128x128xf32, #tpu.memory_space<vmem_shared>>
        %dma_wait3A_146 = arith.constant 0 : i32
        %dma_wait3A_147 = arith.constant 0 : i32
        %dma_wait3A_148 = tpu.memref_slice %arg10[%dma_wait3A_146, %dma_wait3A_147] : memref<128x128xf32, #tpu.memory_space<vmem>> -> memref<128x128xf32, #tpu.memory_space<vmem>>
        %dma_wait3A_149 = arith.constant 0 : i32
        %dma_wait3A_150 = tpu.memref_slice %arg12[%add3A_130, %dma_wait3A_149] : memref<10240x128xf32, #tpu.memory_space<vmem_shared>> -> memref<128x128xf32, #tpu.memory_space<vmem_shared>>
        tpu.wait_dma2 semaphore(%run_scoped3A : memref<!tpu.dma_semaphore, #tpu.memory_space<semaphore_mem>>) src(%dma_wait3A_150 : memref<128x128xf32, #tpu.memory_space<vmem_shared>>) dst(%dma_wait3A_148 : memref<128x128xf32, #tpu.memory_space<vmem>>)
        tpu.yield
      }) : () -> ()
      "tpu.region"() ({
        %run_scoped3A = tpu.sem_alloc : memref<!tpu.dma_semaphore, #tpu.memory_space<semaphore_mem>>
        %dma_start3A_131 = arith.constant 0 : i32
        %dma_start3A_132 = arith.constant 0 : i32
        %dma_start3A_133 = tpu.memref_slice %arg10[%dma_start3A_131, %dma_start3A_132] : memref<128x128xf32, #tpu.memory_space<vmem>> -> memref<128x128xf32, #tpu.memory_space<vmem>>
        %dma_start3A_134 = arith.constant 0 : i32
        %dma_start3A_135 = arith.constant 0 : i32
        %dma_start3A_136 = tpu.memref_slice %arg5[%arg0, %dma_start3A_134, %dma_start3A_135] : memref<2x10240x128xf32, #tpu.memory_space<hbm>> -> memref<1x10240x128xf32, #tpu.memory_space<hbm>>
        %dma_start3A_137 = tpu.memref_squeeze %dma_start3A_136 : memref<1x10240x128xf32, #tpu.memory_space<hbm>> -> memref<10240x128xf32, #tpu.memory_space<hbm>>
        %dma_start3A_138 = arith.constant 0 : i32
        %dma_start3A_139 = tpu.memref_slice %dma_start3A_137[%add3A_130, %dma_start3A_138] : memref<10240x128xf32, #tpu.memory_space<hbm>> -> memref<128x128xf32, #tpu.memory_space<hbm>>
        %dma_start3A_140 = arith.constant 0 : i32
        %dma_start3A_141 = arith.constant 0 : i32
        %dma_start3A_142 = tpu.memref_slice %arg5[%arg0, %dma_start3A_140, %dma_start3A_141] : memref<2x10240x128xf32, #tpu.memory_space<hbm>> -> memref<1x10240x128xf32, #tpu.memory_space<hbm>>
        %dma_start3A_143 = tpu.memref_squeeze %dma_start3A_142 : memref<1x10240x128xf32, #tpu.memory_space<hbm>> -> memref<10240x128xf32, #tpu.memory_space<hbm>>
        %dma_start3A_144 = arith.constant 0 : i32
        %dma_start3A_145 = tpu.memref_slice %dma_start3A_143[%add3A_130, %dma_start3A_144] : memref<10240x128xf32, #tpu.memory_space<hbm>> -> memref<128x128xf32, #tpu.memory_space<hbm>>
        %dma_start3A_146 = arith.constant 0 : i32
        %dma_start3A_147 = arith.constant 0 : i32
        %dma_start3A_148 = tpu.memref_slice %arg10[%dma_start3A_146, %dma_start3A_147] : memref<128x128xf32, #tpu.memory_space<vmem>> -> memref<128x128xf32, #tpu.memory_space<vmem>>
        tpu.enqueue_dma source(%dma_start3A_148 : memref<128x128xf32, #tpu.memory_space<vmem>>) target(%dma_start3A_145 : memref<128x128xf32, #tpu.memory_space<hbm>>) target_semaphore(%run_scoped3A : memref<!tpu.dma_semaphore, #tpu.memory_space<semaphore_mem>>)
        %dma_wait3A_149 = arith.constant 0 : i32
        %dma_wait3A_150 = arith.constant 0 : i32
        %dma_wait3A_151 = tpu.memref_slice %arg10[%dma_wait3A_149, %dma_wait3A_150] : memref<128x128xf32, #tpu.memory_space<vmem>> -> memref<128x128xf32, #tpu.memory_space<vmem>>
        %dma_wait3A_152 = arith.constant 0 : i32
        %dma_wait3A_153 = arith.constant 0 : i32
        %dma_wait3A_154 = tpu.memref_slice %arg5[%arg0, %dma_wait3A_152, %dma_wait3A_153] : memref<2x10240x128xf32, #tpu.memory_space<hbm>> -> memref<1x10240x128xf32, #tpu.memory_space<hbm>>
        %dma_wait3A_155 = tpu.memref_squeeze %dma_wait3A_154 : memref<1x10240x128xf32, #tpu.memory_space<hbm>> -> memref<10240x128xf32, #tpu.memory_space<hbm>>
        %dma_wait3A_156 = arith.constant 0 : i32
        %dma_wait3A_157 = tpu.memref_slice %dma_wait3A_155[%add3A_130, %dma_wait3A_156] : memref<10240x128xf32, #tpu.memory_space<hbm>> -> memref<128x128xf32, #tpu.memory_space<hbm>>
        %dma_wait3A_158 = arith.constant 0 : i32
        %dma_wait3A_159 = arith.constant 0 : i32
        %dma_wait3A_160 = tpu.memref_slice %arg5[%arg0, %dma_wait3A_158, %dma_wait3A_159] : memref<2x10240x128xf32, #tpu.memory_space<hbm>> -> memref<1x10240x128xf32, #tpu.memory_space<hbm>>
        %dma_wait3A_161 = tpu.memref_squeeze %dma_wait3A_160 : memref<1x10240x128xf32, #tpu.memory_space<hbm>> -> memref<10240x128xf32, #tpu.memory_space<hbm>>
        %dma_wait3A_162 = arith.constant 0 : i32
        %dma_wait3A_163 = tpu.memref_slice %dma_wait3A_161[%add3A_130, %dma_wait3A_162] : memref<10240x128xf32, #tpu.memory_space<hbm>> -> memref<128x128xf32, #tpu.memory_space<hbm>>
        %dma_wait3A_164 = arith.constant 0 : i32
        %dma_wait3A_165 = arith.constant 0 : i32
        %dma_wait3A_166 = tpu.memref_slice %arg10[%dma_wait3A_164, %dma_wait3A_165] : memref<128x128xf32, #tpu.memory_space<vmem>> -> memref<128x128xf32, #tpu.memory_space<vmem>>
        tpu.wait_dma2 semaphore(%run_scoped3A : memref<!tpu.dma_semaphore, #tpu.memory_space<semaphore_mem>>) src(%dma_wait3A_166 : memref<128x128xf32, #tpu.memory_space<vmem>>) dst(%dma_wait3A_163 : memref<128x128xf32, #tpu.memory_space<hbm>>)
        tpu.yield
      }) : () -> ()
    }
    %scan3A_121 = arith.constant 5 : i32
    return
  }
}

#map = affine_map<(d0, d1) -> (0, 0, 0, 0)>
#map1 = affine_map<(d0, d1) -> (0, 0, 0)>
#map2 = affine_map<(d0, d1) -> (0, 0)>
module attributes {stable_mosaic.version = 14 : i64} {
  func.func @_sc_scatter_body(%arg0: i32, %arg1: i32, %arg2: memref<16x80x2x128xi32, #tpu.memory_space<hbm>>, %arg3: memref<2x10000x128xf32, #tpu.memory_space<hbm>>, %arg4: memref<640x128xf32, #tpu.memory_space<hbm>>, %arg5: memref<2x10240x128xf32, #tpu.memory_space<hbm>>, %arg6: memref<2x128xi32, #tpu.memory_space<vmem>>, %arg7: memref<2x128xi32, #tpu.memory_space<vmem>>, %arg8: memref<2x128xi32, #tpu.memory_space<vmem>>, %arg9: memref<2x128xi32, #tpu.memory_space<vmem>>, %arg10: memref<128x128xf32, #tpu.memory_space<vmem>>, %arg11: memref<128x128xf32, #tpu.memory_space<vmem>>, %arg12: memref<10240x128xf32, #tpu.memory_space<vmem_shared>>, %arg13: memref<!tpu.dma_semaphore, #tpu.memory_space<semaphore_mem>>, %arg14: memref<!tpu.dma_semaphore, #tpu.memory_space<semaphore_mem>>, %arg15: memref<!tpu.dma_semaphore, #tpu.memory_space<semaphore_mem>>, %arg16: memref<!tpu.dma_semaphore, #tpu.memory_space<semaphore_mem>>, %arg17: memref<!tpu.dma_semaphore, #tpu.memory_space<semaphore_mem>>, %arg18: memref<!tpu.dma_semaphore, #tpu.memory_space<semaphore_mem>>, %arg19: memref<!tpu.dma_semaphore, #tpu.memory_space<semaphore_mem>>, %arg20: memref<!tpu.dma_semaphore, #tpu.memory_space<semaphore_mem>>) attributes {dimension_semantics = [#tpu.dimension_semantics<core_parallel>, #tpu.dimension_semantics<subcore_parallel>], iteration_bounds = array<i64: 2, 16>, scalar_prefetch = 0 : i64, scratch_operands = 15 : i64, tpu.core_type = #tpu.core_type<sc_vector_subcore>, window_params = [{transform_indices = #map}, {transform_indices = #map1}, {transform_indices = #map2}, {transform_indices = #map1}]} {
    %dma_start3A = arith.constant 0 : i32
    %dma_start3A_0 = arith.constant 0 : i32
    %dma_start3A_1 = arith.constant 0 : i32
    %dma_start3A_2 = arith.constant 0 : i32
    %dma_start3A_3 = tpu.memref_slice %arg2[%arg1, %dma_start3A_0, %dma_start3A_1, %dma_start3A_2] : memref<16x80x2x128xi32, #tpu.memory_space<hbm>> -> memref<1x80x2x128xi32, #tpu.memory_space<hbm>>
    %dma_start3A_4 = tpu.memref_squeeze %dma_start3A_3 : memref<1x80x2x128xi32, #tpu.memory_space<hbm>> -> memref<80x2x128xi32, #tpu.memory_space<hbm>>
    %dma_start3A_5 = arith.constant 0 : i32
    %dma_start3A_6 = arith.constant 0 : i32
    %dma_start3A_7 = tpu.memref_slice %dma_start3A_4[%dma_start3A, %dma_start3A_5, %dma_start3A_6] : memref<80x2x128xi32, #tpu.memory_space<hbm>> -> memref<1x2x128xi32, #tpu.memory_space<hbm>>
    %dma_start3A_8 = tpu.memref_squeeze %dma_start3A_7 : memref<1x2x128xi32, #tpu.memory_space<hbm>> -> memref<2x128xi32, #tpu.memory_space<hbm>>
    %dma_start3A_9 = arith.constant 0 : i32
    %dma_start3A_10 = arith.constant 0 : i32
    %dma_start3A_11 = arith.constant 0 : i32
    %dma_start3A_12 = tpu.memref_slice %arg2[%arg1, %dma_start3A_9, %dma_start3A_10, %dma_start3A_11] : memref<16x80x2x128xi32, #tpu.memory_space<hbm>> -> memref<1x80x2x128xi32, #tpu.memory_space<hbm>>
    %dma_start3A_13 = tpu.memref_squeeze %dma_start3A_12 : memref<1x80x2x128xi32, #tpu.memory_space<hbm>> -> memref<80x2x128xi32, #tpu.memory_space<hbm>>
    %dma_start3A_14 = arith.constant 0 : i32
    %dma_start3A_15 = arith.constant 0 : i32
    %dma_start3A_16 = tpu.memref_slice %dma_start3A_13[%dma_start3A, %dma_start3A_14, %dma_start3A_15] : memref<80x2x128xi32, #tpu.memory_space<hbm>> -> memref<1x2x128xi32, #tpu.memory_space<hbm>>
    %dma_start3A_17 = tpu.memref_squeeze %dma_start3A_16 : memref<1x2x128xi32, #tpu.memory_space<hbm>> -> memref<2x128xi32, #tpu.memory_space<hbm>>
    tpu.enqueue_dma source(%dma_start3A_17 : memref<2x128xi32, #tpu.memory_space<hbm>>) target(%arg6 : memref<2x128xi32, #tpu.memory_space<vmem>>) target_semaphore(%arg13 : memref<!tpu.dma_semaphore, #tpu.memory_space<semaphore_mem>>)
    %dma_start3A_18 = arith.constant 1 : i32
    %dma_start3A_19 = arith.constant 0 : i32
    %dma_start3A_20 = arith.constant 0 : i32
    %dma_start3A_21 = arith.constant 0 : i32
    %dma_start3A_22 = tpu.memref_slice %arg2[%arg1, %dma_start3A_19, %dma_start3A_20, %dma_start3A_21] : memref<16x80x2x128xi32, #tpu.memory_space<hbm>> -> memref<1x80x2x128xi32, #tpu.memory_space<hbm>>
    %dma_start3A_23 = tpu.memref_squeeze %dma_start3A_22 : memref<1x80x2x128xi32, #tpu.memory_space<hbm>> -> memref<80x2x128xi32, #tpu.memory_space<hbm>>
    %dma_start3A_24 = arith.constant 0 : i32
    %dma_start3A_25 = arith.constant 0 : i32
    %dma_start3A_26 = tpu.memref_slice %dma_start3A_23[%dma_start3A_18, %dma_start3A_24, %dma_start3A_25] : memref<80x2x128xi32, #tpu.memory_space<hbm>> -> memref<1x2x128xi32, #tpu.memory_space<hbm>>
    %dma_start3A_27 = tpu.memref_squeeze %dma_start3A_26 : memref<1x2x128xi32, #tpu.memory_space<hbm>> -> memref<2x128xi32, #tpu.memory_space<hbm>>
    %dma_start3A_28 = arith.constant 0 : i32
    %dma_start3A_29 = arith.constant 0 : i32
    %dma_start3A_30 = arith.constant 0 : i32
    %dma_start3A_31 = tpu.memref_slice %arg2[%arg1, %dma_start3A_28, %dma_start3A_29, %dma_start3A_30] : memref<16x80x2x128xi32, #tpu.memory_space<hbm>> -> memref<1x80x2x128xi32, #tpu.memory_space<hbm>>
    %dma_start3A_32 = tpu.memref_squeeze %dma_start3A_31 : memref<1x80x2x128xi32, #tpu.memory_space<hbm>> -> memref<80x2x128xi32, #tpu.memory_space<hbm>>
    %dma_start3A_33 = arith.constant 0 : i32
    %dma_start3A_34 = arith.constant 0 : i32
    %dma_start3A_35 = tpu.memref_slice %dma_start3A_32[%dma_start3A_18, %dma_start3A_33, %dma_start3A_34] : memref<80x2x128xi32, #tpu.memory_space<hbm>> -> memref<1x2x128xi32, #tpu.memory_space<hbm>>
    %dma_start3A_36 = tpu.memref_squeeze %dma_start3A_35 : memref<1x2x128xi32, #tpu.memory_space<hbm>> -> memref<2x128xi32, #tpu.memory_space<hbm>>
    tpu.enqueue_dma source(%dma_start3A_36 : memref<2x128xi32, #tpu.memory_space<hbm>>) target(%arg7 : memref<2x128xi32, #tpu.memory_space<vmem>>) target_semaphore(%arg14 : memref<!tpu.dma_semaphore, #tpu.memory_space<semaphore_mem>>)
    %dma_start3A_37 = arith.constant 2 : i32
    %dma_start3A_38 = arith.constant 0 : i32
    %dma_start3A_39 = arith.constant 0 : i32
    %dma_start3A_40 = arith.constant 0 : i32
    %dma_start3A_41 = tpu.memref_slice %arg2[%arg1, %dma_start3A_38, %dma_start3A_39, %dma_start3A_40] : memref<16x80x2x128xi32, #tpu.memory_space<hbm>> -> memref<1x80x2x128xi32, #tpu.memory_space<hbm>>
    %dma_start3A_42 = tpu.memref_squeeze %dma_start3A_41 : memref<1x80x2x128xi32, #tpu.memory_space<hbm>> -> memref<80x2x128xi32, #tpu.memory_space<hbm>>
    %dma_start3A_43 = arith.constant 0 : i32
    %dma_start3A_44 = arith.constant 0 : i32
    %dma_start3A_45 = tpu.memref_slice %dma_start3A_42[%dma_start3A_37, %dma_start3A_43, %dma_start3A_44] : memref<80x2x128xi32, #tpu.memory_space<hbm>> -> memref<1x2x128xi32, #tpu.memory_space<hbm>>
    %dma_start3A_46 = tpu.memref_squeeze %dma_start3A_45 : memref<1x2x128xi32, #tpu.memory_space<hbm>> -> memref<2x128xi32, #tpu.memory_space<hbm>>
    %dma_start3A_47 = arith.constant 0 : i32
    %dma_start3A_48 = arith.constant 0 : i32
    %dma_start3A_49 = arith.constant 0 : i32
    %dma_start3A_50 = tpu.memref_slice %arg2[%arg1, %dma_start3A_47, %dma_start3A_48, %dma_start3A_49] : memref<16x80x2x128xi32, #tpu.memory_space<hbm>> -> memref<1x80x2x128xi32, #tpu.memory_space<hbm>>
    %dma_start3A_51 = tpu.memref_squeeze %dma_start3A_50 : memref<1x80x2x128xi32, #tpu.memory_space<hbm>> -> memref<80x2x128xi32, #tpu.memory_space<hbm>>
    %dma_start3A_52 = arith.constant 0 : i32
    %dma_start3A_53 = arith.constant 0 : i32
    %dma_start3A_54 = tpu.memref_slice %dma_start3A_51[%dma_start3A_37, %dma_start3A_52, %dma_start3A_53] : memref<80x2x128xi32, #tpu.memory_space<hbm>> -> memref<1x2x128xi32, #tpu.memory_space<hbm>>
    %dma_start3A_55 = tpu.memref_squeeze %dma_start3A_54 : memref<1x2x128xi32, #tpu.memory_space<hbm>> -> memref<2x128xi32, #tpu.memory_space<hbm>>
    tpu.enqueue_dma source(%dma_start3A_55 : memref<2x128xi32, #tpu.memory_space<hbm>>) target(%arg8 : memref<2x128xi32, #tpu.memory_space<vmem>>) target_semaphore(%arg15 : memref<!tpu.dma_semaphore, #tpu.memory_space<semaphore_mem>>)
    %dma_start3A_56 = arith.constant 3 : i32
    %dma_start3A_57 = arith.constant 0 : i32
    %dma_start3A_58 = arith.constant 0 : i32
    %dma_start3A_59 = arith.constant 0 : i32
    %dma_start3A_60 = tpu.memref_slice %arg2[%arg1, %dma_start3A_57, %dma_start3A_58, %dma_start3A_59] : memref<16x80x2x128xi32, #tpu.memory_space<hbm>> -> memref<1x80x2x128xi32, #tpu.memory_space<hbm>>
    %dma_start3A_61 = tpu.memref_squeeze %dma_start3A_60 : memref<1x80x2x128xi32, #tpu.memory_space<hbm>> -> memref<80x2x128xi32, #tpu.memory_space<hbm>>
    %dma_start3A_62 = arith.constant 0 : i32
    %dma_start3A_63 = arith.constant 0 : i32
    %dma_start3A_64 = tpu.memref_slice %dma_start3A_61[%dma_start3A_56, %dma_start3A_62, %dma_start3A_63] : memref<80x2x128xi32, #tpu.memory_space<hbm>> -> memref<1x2x128xi32, #tpu.memory_space<hbm>>
    %dma_start3A_65 = tpu.memref_squeeze %dma_start3A_64 : memref<1x2x128xi32, #tpu.memory_space<hbm>> -> memref<2x128xi32, #tpu.memory_space<hbm>>
    %dma_start3A_66 = arith.constant 0 : i32
    %dma_start3A_67 = arith.constant 0 : i32
    %dma_start3A_68 = arith.constant 0 : i32
    %dma_start3A_69 = tpu.memref_slice %arg2[%arg1, %dma_start3A_66, %dma_start3A_67, %dma_start3A_68] : memref<16x80x2x128xi32, #tpu.memory_space<hbm>> -> memref<1x80x2x128xi32, #tpu.memory_space<hbm>>
    %dma_start3A_70 = tpu.memref_squeeze %dma_start3A_69 : memref<1x80x2x128xi32, #tpu.memory_space<hbm>> -> memref<80x2x128xi32, #tpu.memory_space<hbm>>
    %dma_start3A_71 = arith.constant 0 : i32
    %dma_start3A_72 = arith.constant 0 : i32
    %dma_start3A_73 = tpu.memref_slice %dma_start3A_70[%dma_start3A_56, %dma_start3A_71, %dma_start3A_72] : memref<80x2x128xi32, #tpu.memory_space<hbm>> -> memref<1x2x128xi32, #tpu.memory_space<hbm>>
    %dma_start3A_74 = tpu.memref_squeeze %dma_start3A_73 : memref<1x2x128xi32, #tpu.memory_space<hbm>> -> memref<2x128xi32, #tpu.memory_space<hbm>>
    tpu.enqueue_dma source(%dma_start3A_74 : memref<2x128xi32, #tpu.memory_space<hbm>>) target(%arg9 : memref<2x128xi32, #tpu.memory_space<vmem>>) target_semaphore(%arg16 : memref<!tpu.dma_semaphore, #tpu.memory_space<semaphore_mem>>)
    %mul3A = arith.constant 640 : i32
    %mul3A_75 = arith.muli %arg1, %mul3A : i32
    "tpu.region"() ({
      %run_scoped3A = tpu.sem_alloc : memref<!tpu.dma_semaphore, #tpu.memory_space<semaphore_mem>>
      %dma_start3A_122 = arith.constant 0 : i32
      %dma_start3A_123 = tpu.memref_slice %arg12[%mul3A_75, %dma_start3A_122] : memref<10240x128xf32, #tpu.memory_space<vmem_shared>> -> memref<640x128xf32, #tpu.memory_space<vmem_shared>>
      tpu.enqueue_dma source(%arg4 : memref<640x128xf32, #tpu.memory_space<hbm>>) target(%dma_start3A_123 : memref<640x128xf32, #tpu.memory_space<vmem_shared>>) target_semaphore(%run_scoped3A : memref<!tpu.dma_semaphore, #tpu.memory_space<semaphore_mem>>)
      %dma_wait3A_124 = arith.constant 0 : i32
      %dma_wait3A_125 = tpu.memref_slice %arg12[%mul3A_75, %dma_wait3A_124] : memref<10240x128xf32, #tpu.memory_space<vmem_shared>> -> memref<640x128xf32, #tpu.memory_space<vmem_shared>>
      tpu.wait_dma2 semaphore(%run_scoped3A : memref<!tpu.dma_semaphore, #tpu.memory_space<semaphore_mem>>) src(%arg4 : memref<640x128xf32, #tpu.memory_space<hbm>>) dst(%dma_wait3A_125 : memref<640x128xf32, #tpu.memory_space<vmem_shared>>)
      tpu.yield
    }) : () -> ()
    %barrier3A = arith.constant 0 : index
    tpu.barrier barrier_id(%barrier3A)
    %dma_wait3A = arith.constant 0 : i32
    %dma_wait3A_76 = arith.constant 0 : i32
    %dma_wait3A_77 = arith.constant 0 : i32
    %dma_wait3A_78 = arith.constant 0 : i32
    %dma_wait3A_79 = tpu.memref_slice %arg2[%arg1, %dma_wait3A_76, %dma_wait3A_77, %dma_wait3A_78] : memref<16x80x2x128xi32, #tpu.memory_space<hbm>> -> memref<1x80x2x128xi32, #tpu.memory_space<hbm>>
    %dma_wait3A_80 = tpu.memref_squeeze %dma_wait3A_79 : memref<1x80x2x128xi32, #tpu.memory_space<hbm>> -> memref<80x2x128xi32, #tpu.memory_space<hbm>>
    %dma_wait3A_81 = arith.constant 0 : i32
    %dma_wait3A_82 = arith.constant 0 : i32
    %dma_wait3A_83 = tpu.memref_slice %dma_wait3A_80[%dma_wait3A, %dma_wait3A_81, %dma_wait3A_82] : memref<80x2x128xi32, #tpu.memory_space<hbm>> -> memref<1x2x128xi32, #tpu.memory_space<hbm>>
    %dma_wait3A_84 = tpu.memref_squeeze %dma_wait3A_83 : memref<1x2x128xi32, #tpu.memory_space<hbm>> -> memref<2x128xi32, #tpu.memory_space<hbm>>
    %dma_wait3A_85 = arith.constant 0 : i32
    %dma_wait3A_86 = arith.constant 0 : i32
    %dma_wait3A_87 = arith.constant 0 : i32
    %dma_wait3A_88 = tpu.memref_slice %arg2[%arg1, %dma_wait3A_85, %dma_wait3A_86, %dma_wait3A_87] : memref<16x80x2x128xi32, #tpu.memory_space<hbm>> -> memref<1x80x2x128xi32, #tpu.memory_space<hbm>>
    %dma_wait3A_89 = tpu.memref_squeeze %dma_wait3A_88 : memref<1x80x2x128xi32, #tpu.memory_space<hbm>> -> memref<80x2x128xi32, #tpu.memory_space<hbm>>
    %dma_wait3A_90 = arith.constant 0 : i32
    %dma_wait3A_91 = arith.constant 0 : i32
    %dma_wait3A_92 = tpu.memref_slice %dma_wait3A_89[%dma_wait3A, %dma_wait3A_90, %dma_wait3A_91] : memref<80x2x128xi32, #tpu.memory_space<hbm>> -> memref<1x2x128xi32, #tpu.memory_space<hbm>>
    %dma_wait3A_93 = tpu.memref_squeeze %dma_wait3A_92 : memref<1x2x128xi32, #tpu.memory_space<hbm>> -> memref<2x128xi32, #tpu.memory_space<hbm>>
    tpu.wait_dma2 semaphore(%arg13 : memref<!tpu.dma_semaphore, #tpu.memory_space<semaphore_mem>>) src(%dma_wait3A_93 : memref<2x128xi32, #tpu.memory_space<hbm>>) dst(%arg6 : memref<2x128xi32, #tpu.memory_space<vmem>>)
    %dma_start3A_94 = arith.constant 0 : i32
    %dma_start3A_95 = arith.constant 0 : i32
    %dma_start3A_96 = tpu.memref_slice %arg6[%dma_start3A_94, %dma_start3A_95] : memref<2x128xi32, #tpu.memory_space<vmem>> -> memref<1x128xi32, #tpu.memory_space<vmem>>
    %dma_start3A_97 = tpu.memref_squeeze %dma_start3A_96 : memref<1x128xi32, #tpu.memory_space<vmem>> -> memref<128xi32, #tpu.memory_space<vmem>>
    %dma_start3A_98 = arith.constant 0 : i32
    %dma_start3A_99 = arith.constant 0 : i32
    %dma_start3A_100 = tpu.memref_slice %arg3[%arg0, %dma_start3A_98, %dma_start3A_99] : memref<2x10000x128xf32, #tpu.memory_space<hbm>> -> memref<1x10000x128xf32, #tpu.memory_space<hbm>>
    %dma_start3A_101 = tpu.memref_squeeze %dma_start3A_100 : memref<1x10000x128xf32, #tpu.memory_space<hbm>> -> memref<10000x128xf32, #tpu.memory_space<hbm>>
    %dma_start3A_102 = arith.constant 0 : i32
    %dma_start3A_103 = arith.constant 0 : i32
    %dma_start3A_104 = tpu.memref_slice %dma_start3A_101[%dma_start3A_102, %dma_start3A_103] : memref<10000x128xf32, #tpu.memory_space<hbm>> -> memref<10000x128xf32, #tpu.memory_space<hbm>>
    tpu.enqueue_indirect_dma source(%dma_start3A_104 : memref<10000x128xf32, #tpu.memory_space<hbm>>) target(%arg10 : memref<128x128xf32, #tpu.memory_space<vmem>>) offsets(%dma_start3A_97 : memref<128xi32, #tpu.memory_space<vmem>>) semaphore(%arg17 : memref<!tpu.dma_semaphore, #tpu.memory_space<semaphore_mem>>)
    %scan3A = arith.constant 0 : i32
    %scan3A_105 = arith.constant 20 : i32
    %scan3A_106 = arith.addi %scan3A, %scan3A_105 : i32
    %scan3A_107 = arith.constant 1 : i32
    scf.for %scan3A_122 = %scan3A to %scan3A_106 step %scan3A_107  : i32 {
      %mul3A_123 = arith.constant 4 : i32
      %mul3A_124 = arith.muli %scan3A_122, %mul3A_123 : i32
      %add3A = arith.constant 0 : i32
      %add3A_125 = arith.addi %add3A, %mul3A_124 : i32
      %add3A_126 = arith.constant 0 : i32
      %add3A_127 = arith.addi %add3A_125, %add3A_126 : i32
      %dma_wait3A_128 = arith.constant 0 : i32
      %dma_wait3A_129 = arith.constant 0 : i32
      %dma_wait3A_130 = tpu.memref_slice %arg6[%dma_wait3A_128, %dma_wait3A_129] : memref<2x128xi32, #tpu.memory_space<vmem>> -> memref<1x128xi32, #tpu.memory_space<vmem>>
      %dma_wait3A_131 = tpu.memref_squeeze %dma_wait3A_130 : memref<1x128xi32, #tpu.memory_space<vmem>> -> memref<128xi32, #tpu.memory_space<vmem>>
      %dma_wait3A_132 = arith.constant 0 : i32
      %dma_wait3A_133 = arith.constant 0 : i32
      %dma_wait3A_134 = tpu.memref_slice %arg3[%arg0, %dma_wait3A_132, %dma_wait3A_133] : memref<2x10000x128xf32, #tpu.memory_space<hbm>> -> memref<1x10000x128xf32, #tpu.memory_space<hbm>>
      %dma_wait3A_135 = tpu.memref_squeeze %dma_wait3A_134 : memref<1x10000x128xf32, #tpu.memory_space<hbm>> -> memref<10000x128xf32, #tpu.memory_space<hbm>>
      %dma_wait3A_136 = arith.constant 0 : i32
      %dma_wait3A_137 = arith.constant 0 : i32
      %dma_wait3A_138 = tpu.memref_slice %dma_wait3A_135[%dma_wait3A_136, %dma_wait3A_137] : memref<10000x128xf32, #tpu.memory_space<hbm>> -> memref<10000x128xf32, #tpu.memory_space<hbm>>
      tpu.wait_indirect_dma semaphore(%arg17 : memref<!tpu.dma_semaphore, #tpu.memory_space<semaphore_mem>>) src(%dma_wait3A_138 : memref<10000x128xf32, #tpu.memory_space<hbm>>) dst(%arg10 : memref<128x128xf32, #tpu.memory_space<vmem>>)
      %dma_start3A_139 = arith.constant 1 : i32
      %dma_start3A_140 = arith.constant 0 : i32
      %dma_start3A_141 = tpu.memref_slice %arg6[%dma_start3A_139, %dma_start3A_140] : memref<2x128xi32, #tpu.memory_space<vmem>> -> memref<1x128xi32, #tpu.memory_space<vmem>>
      %dma_start3A_142 = tpu.memref_squeeze %dma_start3A_141 : memref<1x128xi32, #tpu.memory_space<vmem>> -> memref<128xi32, #tpu.memory_space<vmem>>
      %dma_start3A_143 = arith.constant 0 : i32
      %dma_start3A_144 = arith.constant 0 : i32
      %dma_start3A_145 = tpu.memref_slice %arg12[%dma_start3A_143, %dma_start3A_144] : memref<10240x128xf32, #tpu.memory_space<vmem_shared>> -> memref<10240x128xf32, #tpu.memory_space<vmem_shared>>
      tpu.enqueue_indirect_dma source(%arg10 : memref<128x128xf32, #tpu.memory_space<vmem>>) target(%dma_start3A_145 : memref<10240x128xf32, #tpu.memory_space<vmem_shared>>) offsets(%dma_start3A_142 : memref<128xi32, #tpu.memory_space<vmem>>) semaphore(%arg19 : memref<!tpu.dma_semaphore, #tpu.memory_space<semaphore_mem>>) {add = true}
      %gt3A = arith.constant 0 : i32
      %gt3A_146 = arith.cmpi sgt, %add3A_127, %gt3A : i32
      %convert_element_type3A = arith.extui %gt3A_146 : i1 to i32
      %cond3A = arith.constant 0 : i32
      %cond3A_147 = arith.cmpi ne, %convert_element_type3A, %cond3A : i32
      scf.if %cond3A_147 {
        %dma_wait3A_297 = arith.constant 1 : i32
        %dma_wait3A_298 = arith.constant 0 : i32
        %dma_wait3A_299 = tpu.memref_slice %arg9[%dma_wait3A_297, %dma_wait3A_298] : memref<2x128xi32, #tpu.memory_space<vmem>> -> memref<1x128xi32, #tpu.memory_space<vmem>>
        %dma_wait3A_300 = tpu.memref_squeeze %dma_wait3A_299 : memref<1x128xi32, #tpu.memory_space<vmem>> -> memref<128xi32, #tpu.memory_space<vmem>>
        %dma_wait3A_301 = arith.constant 0 : i32
        %dma_wait3A_302 = arith.constant 0 : i32
        %dma_wait3A_303 = tpu.memref_slice %arg12[%dma_wait3A_301, %dma_wait3A_302] : memref<10240x128xf32, #tpu.memory_space<vmem_shared>> -> memref<10240x128xf32, #tpu.memory_space<vmem_shared>>
        tpu.wait_indirect_dma semaphore(%arg20 : memref<!tpu.dma_semaphore, #tpu.memory_space<semaphore_mem>>) src(%arg11 : memref<128x128xf32, #tpu.memory_space<vmem>>) dst(%dma_wait3A_303 : memref<10240x128xf32, #tpu.memory_space<vmem_shared>>)
      } else {
      }
      %gt3A_148 = arith.constant 0 : i32
      %gt3A_149 = arith.cmpi sgt, %add3A_127, %gt3A_148 : i32
      %add3A_150 = arith.constant 2 : i32
      %add3A_151 = arith.addi %add3A_127, %add3A_150 : i32
      %add3A_152 = arith.constant 1 : i32
      %add3A_153 = arith.addi %add3A_151, %add3A_152 : i32
      %lt3A = arith.constant 80 : i32
      %lt3A_154 = arith.cmpi slt, %add3A_153, %lt3A : i32
      %and3A = arith.andi %gt3A_149, %lt3A_154 : i1
      %convert_element_type3A_155 = arith.extui %and3A : i1 to i32
      %cond3A_156 = arith.constant 0 : i32
      %cond3A_157 = arith.cmpi ne, %convert_element_type3A_155, %cond3A_156 : i32
      scf.if %cond3A_157 {
        %add3A_297 = arith.constant 2 : i32
        %add3A_298 = arith.addi %add3A_127, %add3A_297 : i32
        %add3A_299 = arith.constant 1 : i32
        %add3A_300 = arith.addi %add3A_298, %add3A_299 : i32
        %dma_start3A_301 = arith.constant 0 : i32
        %dma_start3A_302 = arith.constant 0 : i32
        %dma_start3A_303 = arith.constant 0 : i32
        %dma_start3A_304 = tpu.memref_slice %arg2[%arg1, %dma_start3A_301, %dma_start3A_302, %dma_start3A_303] : memref<16x80x2x128xi32, #tpu.memory_space<hbm>> -> memref<1x80x2x128xi32, #tpu.memory_space<hbm>>
        %dma_start3A_305 = tpu.memref_squeeze %dma_start3A_304 : memref<1x80x2x128xi32, #tpu.memory_space<hbm>> -> memref<80x2x128xi32, #tpu.memory_space<hbm>>
        %dma_start3A_306 = arith.constant 0 : i32
        %dma_start3A_307 = arith.constant 0 : i32
        %dma_start3A_308 = tpu.memref_slice %dma_start3A_305[%add3A_300, %dma_start3A_306, %dma_start3A_307] : memref<80x2x128xi32, #tpu.memory_space<hbm>> -> memref<1x2x128xi32, #tpu.memory_space<hbm>>
        %dma_start3A_309 = tpu.memref_squeeze %dma_start3A_308 : memref<1x2x128xi32, #tpu.memory_space<hbm>> -> memref<2x128xi32, #tpu.memory_space<hbm>>
        %dma_start3A_310 = arith.constant 0 : i32
        %dma_start3A_311 = arith.constant 0 : i32
        %dma_start3A_312 = arith.constant 0 : i32
        %dma_start3A_313 = tpu.memref_slice %arg2[%arg1, %dma_start3A_310, %dma_start3A_311, %dma_start3A_312] : memref<16x80x2x128xi32, #tpu.memory_space<hbm>> -> memref<1x80x2x128xi32, #tpu.memory_space<hbm>>
        %dma_start3A_314 = tpu.memref_squeeze %dma_start3A_313 : memref<1x80x2x128xi32, #tpu.memory_space<hbm>> -> memref<80x2x128xi32, #tpu.memory_space<hbm>>
        %dma_start3A_315 = arith.constant 0 : i32
        %dma_start3A_316 = arith.constant 0 : i32
        %dma_start3A_317 = tpu.memref_slice %dma_start3A_314[%add3A_300, %dma_start3A_315, %dma_start3A_316] : memref<80x2x128xi32, #tpu.memory_space<hbm>> -> memref<1x2x128xi32, #tpu.memory_space<hbm>>
        %dma_start3A_318 = tpu.memref_squeeze %dma_start3A_317 : memref<1x2x128xi32, #tpu.memory_space<hbm>> -> memref<2x128xi32, #tpu.memory_space<hbm>>
        tpu.enqueue_dma source(%dma_start3A_318 : memref<2x128xi32, #tpu.memory_space<hbm>>) target(%arg9 : memref<2x128xi32, #tpu.memory_space<vmem>>) target_semaphore(%arg16 : memref<!tpu.dma_semaphore, #tpu.memory_space<semaphore_mem>>)
      } else {
      }
      %add3A_158 = arith.constant 1 : i32
      %add3A_159 = arith.addi %add3A_127, %add3A_158 : i32
      %lt3A_160 = arith.constant 80 : i32
      %lt3A_161 = arith.cmpi slt, %add3A_159, %lt3A_160 : i32
      %convert_element_type3A_162 = arith.extui %lt3A_161 : i1 to i32
      %cond3A_163 = arith.constant 0 : i32
      %cond3A_164 = arith.cmpi ne, %convert_element_type3A_162, %cond3A_163 : i32
      scf.if %cond3A_164 {
        %dma_wait3A_297 = arith.constant 0 : i32
        %dma_wait3A_298 = arith.constant 0 : i32
        %dma_wait3A_299 = arith.constant 0 : i32
        %dma_wait3A_300 = arith.constant 0 : i32
        %dma_wait3A_301 = tpu.memref_slice %arg2[%arg1, %dma_wait3A_298, %dma_wait3A_299, %dma_wait3A_300] : memref<16x80x2x128xi32, #tpu.memory_space<hbm>> -> memref<1x80x2x128xi32, #tpu.memory_space<hbm>>
        %dma_wait3A_302 = tpu.memref_squeeze %dma_wait3A_301 : memref<1x80x2x128xi32, #tpu.memory_space<hbm>> -> memref<80x2x128xi32, #tpu.memory_space<hbm>>
        %dma_wait3A_303 = arith.constant 0 : i32
        %dma_wait3A_304 = arith.constant 0 : i32
        %dma_wait3A_305 = tpu.memref_slice %dma_wait3A_302[%dma_wait3A_297, %dma_wait3A_303, %dma_wait3A_304] : memref<80x2x128xi32, #tpu.memory_space<hbm>> -> memref<1x2x128xi32, #tpu.memory_space<hbm>>
        %dma_wait3A_306 = tpu.memref_squeeze %dma_wait3A_305 : memref<1x2x128xi32, #tpu.memory_space<hbm>> -> memref<2x128xi32, #tpu.memory_space<hbm>>
        %dma_wait3A_307 = arith.constant 0 : i32
        %dma_wait3A_308 = arith.constant 0 : i32
        %dma_wait3A_309 = arith.constant 0 : i32
        %dma_wait3A_310 = tpu.memref_slice %arg2[%arg1, %dma_wait3A_307, %dma_wait3A_308, %dma_wait3A_309] : memref<16x80x2x128xi32, #tpu.memory_space<hbm>> -> memref<1x80x2x128xi32, #tpu.memory_space<hbm>>
        %dma_wait3A_311 = tpu.memref_squeeze %dma_wait3A_310 : memref<1x80x2x128xi32, #tpu.memory_space<hbm>> -> memref<80x2x128xi32, #tpu.memory_space<hbm>>
        %dma_wait3A_312 = arith.constant 0 : i32
        %dma_wait3A_313 = arith.constant 0 : i32
        %dma_wait3A_314 = tpu.memref_slice %dma_wait3A_311[%dma_wait3A_297, %dma_wait3A_312, %dma_wait3A_313] : memref<80x2x128xi32, #tpu.memory_space<hbm>> -> memref<1x2x128xi32, #tpu.memory_space<hbm>>
        %dma_wait3A_315 = tpu.memref_squeeze %dma_wait3A_314 : memref<1x2x128xi32, #tpu.memory_space<hbm>> -> memref<2x128xi32, #tpu.memory_space<hbm>>
        tpu.wait_dma2 semaphore(%arg14 : memref<!tpu.dma_semaphore, #tpu.memory_space<semaphore_mem>>) src(%dma_wait3A_315 : memref<2x128xi32, #tpu.memory_space<hbm>>) dst(%arg7 : memref<2x128xi32, #tpu.memory_space<vmem>>)
        %dma_start3A_316 = arith.constant 0 : i32
        %dma_start3A_317 = arith.constant 0 : i32
        %dma_start3A_318 = tpu.memref_slice %arg7[%dma_start3A_316, %dma_start3A_317] : memref<2x128xi32, #tpu.memory_space<vmem>> -> memref<1x128xi32, #tpu.memory_space<vmem>>
        %dma_start3A_319 = tpu.memref_squeeze %dma_start3A_318 : memref<1x128xi32, #tpu.memory_space<vmem>> -> memref<128xi32, #tpu.memory_space<vmem>>
        %dma_start3A_320 = arith.constant 0 : i32
        %dma_start3A_321 = arith.constant 0 : i32
        %dma_start3A_322 = tpu.memref_slice %arg3[%arg0, %dma_start3A_320, %dma_start3A_321] : memref<2x10000x128xf32, #tpu.memory_space<hbm>> -> memref<1x10000x128xf32, #tpu.memory_space<hbm>>
        %dma_start3A_323 = tpu.memref_squeeze %dma_start3A_322 : memref<1x10000x128xf32, #tpu.memory_space<hbm>> -> memref<10000x128xf32, #tpu.memory_space<hbm>>
        %dma_start3A_324 = arith.constant 0 : i32
        %dma_start3A_325 = arith.constant 0 : i32
        %dma_start3A_326 = tpu.memref_slice %dma_start3A_323[%dma_start3A_324, %dma_start3A_325] : memref<10000x128xf32, #tpu.memory_space<hbm>> -> memref<10000x128xf32, #tpu.memory_space<hbm>>
        tpu.enqueue_indirect_dma source(%dma_start3A_326 : memref<10000x128xf32, #tpu.memory_space<hbm>>) target(%arg11 : memref<128x128xf32, #tpu.memory_space<vmem>>) offsets(%dma_start3A_319 : memref<128xi32, #tpu.memory_space<vmem>>) semaphore(%arg18 : memref<!tpu.dma_semaphore, #tpu.memory_space<semaphore_mem>>)
      } else {
      }
      %add3A_165 = arith.constant 1 : i32
      %add3A_166 = arith.addi %add3A_125, %add3A_165 : i32
      %dma_wait3A_167 = arith.constant 0 : i32
      %dma_wait3A_168 = arith.constant 0 : i32
      %dma_wait3A_169 = tpu.memref_slice %arg7[%dma_wait3A_167, %dma_wait3A_168] : memref<2x128xi32, #tpu.memory_space<vmem>> -> memref<1x128xi32, #tpu.memory_space<vmem>>
      %dma_wait3A_170 = tpu.memref_squeeze %dma_wait3A_169 : memref<1x128xi32, #tpu.memory_space<vmem>> -> memref<128xi32, #tpu.memory_space<vmem>>
      %dma_wait3A_171 = arith.constant 0 : i32
      %dma_wait3A_172 = arith.constant 0 : i32
      %dma_wait3A_173 = tpu.memref_slice %arg3[%arg0, %dma_wait3A_171, %dma_wait3A_172] : memref<2x10000x128xf32, #tpu.memory_space<hbm>> -> memref<1x10000x128xf32, #tpu.memory_space<hbm>>
      %dma_wait3A_174 = tpu.memref_squeeze %dma_wait3A_173 : memref<1x10000x128xf32, #tpu.memory_space<hbm>> -> memref<10000x128xf32, #tpu.memory_space<hbm>>
      %dma_wait3A_175 = arith.constant 0 : i32
      %dma_wait3A_176 = arith.constant 0 : i32
      %dma_wait3A_177 = tpu.memref_slice %dma_wait3A_174[%dma_wait3A_175, %dma_wait3A_176] : memref<10000x128xf32, #tpu.memory_space<hbm>> -> memref<10000x128xf32, #tpu.memory_space<hbm>>
      tpu.wait_indirect_dma semaphore(%arg18 : memref<!tpu.dma_semaphore, #tpu.memory_space<semaphore_mem>>) src(%dma_wait3A_177 : memref<10000x128xf32, #tpu.memory_space<hbm>>) dst(%arg11 : memref<128x128xf32, #tpu.memory_space<vmem>>)
      %dma_start3A_178 = arith.constant 1 : i32
      %dma_start3A_179 = arith.constant 0 : i32
      %dma_start3A_180 = tpu.memref_slice %arg7[%dma_start3A_178, %dma_start3A_179] : memref<2x128xi32, #tpu.memory_space<vmem>> -> memref<1x128xi32, #tpu.memory_space<vmem>>
      %dma_start3A_181 = tpu.memref_squeeze %dma_start3A_180 : memref<1x128xi32, #tpu.memory_space<vmem>> -> memref<128xi32, #tpu.memory_space<vmem>>
      %dma_start3A_182 = arith.constant 0 : i32
      %dma_start3A_183 = arith.constant 0 : i32
      %dma_start3A_184 = tpu.memref_slice %arg12[%dma_start3A_182, %dma_start3A_183] : memref<10240x128xf32, #tpu.memory_space<vmem_shared>> -> memref<10240x128xf32, #tpu.memory_space<vmem_shared>>
      tpu.enqueue_indirect_dma source(%arg11 : memref<128x128xf32, #tpu.memory_space<vmem>>) target(%dma_start3A_184 : memref<10240x128xf32, #tpu.memory_space<vmem_shared>>) offsets(%dma_start3A_181 : memref<128xi32, #tpu.memory_space<vmem>>) semaphore(%arg20 : memref<!tpu.dma_semaphore, #tpu.memory_space<semaphore_mem>>) {add = true}
      %gt3A_185 = arith.constant 0 : i32
      %gt3A_186 = arith.cmpi sgt, %add3A_166, %gt3A_185 : i32
      %convert_element_type3A_187 = arith.extui %gt3A_186 : i1 to i32
      %cond3A_188 = arith.constant 0 : i32
      %cond3A_189 = arith.cmpi ne, %convert_element_type3A_187, %cond3A_188 : i32
      scf.if %cond3A_189 {
        %dma_wait3A_297 = arith.constant 1 : i32
        %dma_wait3A_298 = arith.constant 0 : i32
        %dma_wait3A_299 = tpu.memref_slice %arg6[%dma_wait3A_297, %dma_wait3A_298] : memref<2x128xi32, #tpu.memory_space<vmem>> -> memref<1x128xi32, #tpu.memory_space<vmem>>
        %dma_wait3A_300 = tpu.memref_squeeze %dma_wait3A_299 : memref<1x128xi32, #tpu.memory_space<vmem>> -> memref<128xi32, #tpu.memory_space<vmem>>
        %dma_wait3A_301 = arith.constant 0 : i32
        %dma_wait3A_302 = arith.constant 0 : i32
        %dma_wait3A_303 = tpu.memref_slice %arg12[%dma_wait3A_301, %dma_wait3A_302] : memref<10240x128xf32, #tpu.memory_space<vmem_shared>> -> memref<10240x128xf32, #tpu.memory_space<vmem_shared>>
        tpu.wait_indirect_dma semaphore(%arg19 : memref<!tpu.dma_semaphore, #tpu.memory_space<semaphore_mem>>) src(%arg10 : memref<128x128xf32, #tpu.memory_space<vmem>>) dst(%dma_wait3A_303 : memref<10240x128xf32, #tpu.memory_space<vmem_shared>>)
      } else {
      }
      %gt3A_190 = arith.constant 0 : i32
      %gt3A_191 = arith.cmpi sgt, %add3A_166, %gt3A_190 : i32
      %add3A_192 = arith.constant 2 : i32
      %add3A_193 = arith.addi %add3A_166, %add3A_192 : i32
      %add3A_194 = arith.constant 1 : i32
      %add3A_195 = arith.addi %add3A_193, %add3A_194 : i32
      %lt3A_196 = arith.constant 80 : i32
      %lt3A_197 = arith.cmpi slt, %add3A_195, %lt3A_196 : i32
      %and3A_198 = arith.andi %gt3A_191, %lt3A_197 : i1
      %convert_element_type3A_199 = arith.extui %and3A_198 : i1 to i32
      %cond3A_200 = arith.constant 0 : i32
      %cond3A_201 = arith.cmpi ne, %convert_element_type3A_199, %cond3A_200 : i32
      scf.if %cond3A_201 {
        %add3A_297 = arith.constant 2 : i32
        %add3A_298 = arith.addi %add3A_166, %add3A_297 : i32
        %add3A_299 = arith.constant 1 : i32
        %add3A_300 = arith.addi %add3A_298, %add3A_299 : i32
        %dma_start3A_301 = arith.constant 0 : i32
        %dma_start3A_302 = arith.constant 0 : i32
        %dma_start3A_303 = arith.constant 0 : i32
        %dma_start3A_304 = tpu.memref_slice %arg2[%arg1, %dma_start3A_301, %dma_start3A_302, %dma_start3A_303] : memref<16x80x2x128xi32, #tpu.memory_space<hbm>> -> memref<1x80x2x128xi32, #tpu.memory_space<hbm>>
        %dma_start3A_305 = tpu.memref_squeeze %dma_start3A_304 : memref<1x80x2x128xi32, #tpu.memory_space<hbm>> -> memref<80x2x128xi32, #tpu.memory_space<hbm>>
        %dma_start3A_306 = arith.constant 0 : i32
        %dma_start3A_307 = arith.constant 0 : i32
        %dma_start3A_308 = tpu.memref_slice %dma_start3A_305[%add3A_300, %dma_start3A_306, %dma_start3A_307] : memref<80x2x128xi32, #tpu.memory_space<hbm>> -> memref<1x2x128xi32, #tpu.memory_space<hbm>>
        %dma_start3A_309 = tpu.memref_squeeze %dma_start3A_308 : memref<1x2x128xi32, #tpu.memory_space<hbm>> -> memref<2x128xi32, #tpu.memory_space<hbm>>
        %dma_start3A_310 = arith.constant 0 : i32
        %dma_start3A_311 = arith.constant 0 : i32
        %dma_start3A_312 = arith.constant 0 : i32
        %dma_start3A_313 = tpu.memref_slice %arg2[%arg1, %dma_start3A_310, %dma_start3A_311, %dma_start3A_312] : memref<16x80x2x128xi32, #tpu.memory_space<hbm>> -> memref<1x80x2x128xi32, #tpu.memory_space<hbm>>
        %dma_start3A_314 = tpu.memref_squeeze %dma_start3A_313 : memref<1x80x2x128xi32, #tpu.memory_space<hbm>> -> memref<80x2x128xi32, #tpu.memory_space<hbm>>
        %dma_start3A_315 = arith.constant 0 : i32
        %dma_start3A_316 = arith.constant 0 : i32
        %dma_start3A_317 = tpu.memref_slice %dma_start3A_314[%add3A_300, %dma_start3A_315, %dma_start3A_316] : memref<80x2x128xi32, #tpu.memory_space<hbm>> -> memref<1x2x128xi32, #tpu.memory_space<hbm>>
        %dma_start3A_318 = tpu.memref_squeeze %dma_start3A_317 : memref<1x2x128xi32, #tpu.memory_space<hbm>> -> memref<2x128xi32, #tpu.memory_space<hbm>>
        tpu.enqueue_dma source(%dma_start3A_318 : memref<2x128xi32, #tpu.memory_space<hbm>>) target(%arg6 : memref<2x128xi32, #tpu.memory_space<vmem>>) target_semaphore(%arg13 : memref<!tpu.dma_semaphore, #tpu.memory_space<semaphore_mem>>)
      } else {
      }
      %add3A_202 = arith.constant 1 : i32
      %add3A_203 = arith.addi %add3A_166, %add3A_202 : i32
      %lt3A_204 = arith.constant 80 : i32
      %lt3A_205 = arith.cmpi slt, %add3A_203, %lt3A_204 : i32
      %convert_element_type3A_206 = arith.extui %lt3A_205 : i1 to i32
      %cond3A_207 = arith.constant 0 : i32
      %cond3A_208 = arith.cmpi ne, %convert_element_type3A_206, %cond3A_207 : i32
      scf.if %cond3A_208 {
        %dma_wait3A_297 = arith.constant 0 : i32
        %dma_wait3A_298 = arith.constant 0 : i32
        %dma_wait3A_299 = arith.constant 0 : i32
        %dma_wait3A_300 = arith.constant 0 : i32
        %dma_wait3A_301 = tpu.memref_slice %arg2[%arg1, %dma_wait3A_298, %dma_wait3A_299, %dma_wait3A_300] : memref<16x80x2x128xi32, #tpu.memory_space<hbm>> -> memref<1x80x2x128xi32, #tpu.memory_space<hbm>>
        %dma_wait3A_302 = tpu.memref_squeeze %dma_wait3A_301 : memref<1x80x2x128xi32, #tpu.memory_space<hbm>> -> memref<80x2x128xi32, #tpu.memory_space<hbm>>
        %dma_wait3A_303 = arith.constant 0 : i32
        %dma_wait3A_304 = arith.constant 0 : i32
        %dma_wait3A_305 = tpu.memref_slice %dma_wait3A_302[%dma_wait3A_297, %dma_wait3A_303, %dma_wait3A_304] : memref<80x2x128xi32, #tpu.memory_space<hbm>> -> memref<1x2x128xi32, #tpu.memory_space<hbm>>
        %dma_wait3A_306 = tpu.memref_squeeze %dma_wait3A_305 : memref<1x2x128xi32, #tpu.memory_space<hbm>> -> memref<2x128xi32, #tpu.memory_space<hbm>>
        %dma_wait3A_307 = arith.constant 0 : i32
        %dma_wait3A_308 = arith.constant 0 : i32
        %dma_wait3A_309 = arith.constant 0 : i32
        %dma_wait3A_310 = tpu.memref_slice %arg2[%arg1, %dma_wait3A_307, %dma_wait3A_308, %dma_wait3A_309] : memref<16x80x2x128xi32, #tpu.memory_space<hbm>> -> memref<1x80x2x128xi32, #tpu.memory_space<hbm>>
        %dma_wait3A_311 = tpu.memref_squeeze %dma_wait3A_310 : memref<1x80x2x128xi32, #tpu.memory_space<hbm>> -> memref<80x2x128xi32, #tpu.memory_space<hbm>>
        %dma_wait3A_312 = arith.constant 0 : i32
        %dma_wait3A_313 = arith.constant 0 : i32
        %dma_wait3A_314 = tpu.memref_slice %dma_wait3A_311[%dma_wait3A_297, %dma_wait3A_312, %dma_wait3A_313] : memref<80x2x128xi32, #tpu.memory_space<hbm>> -> memref<1x2x128xi32, #tpu.memory_space<hbm>>
        %dma_wait3A_315 = tpu.memref_squeeze %dma_wait3A_314 : memref<1x2x128xi32, #tpu.memory_space<hbm>> -> memref<2x128xi32, #tpu.memory_space<hbm>>
        tpu.wait_dma2 semaphore(%arg15 : memref<!tpu.dma_semaphore, #tpu.memory_space<semaphore_mem>>) src(%dma_wait3A_315 : memref<2x128xi32, #tpu.memory_space<hbm>>) dst(%arg8 : memref<2x128xi32, #tpu.memory_space<vmem>>)
        %dma_start3A_316 = arith.constant 0 : i32
        %dma_start3A_317 = arith.constant 0 : i32
        %dma_start3A_318 = tpu.memref_slice %arg8[%dma_start3A_316, %dma_start3A_317] : memref<2x128xi32, #tpu.memory_space<vmem>> -> memref<1x128xi32, #tpu.memory_space<vmem>>
        %dma_start3A_319 = tpu.memref_squeeze %dma_start3A_318 : memref<1x128xi32, #tpu.memory_space<vmem>> -> memref<128xi32, #tpu.memory_space<vmem>>
        %dma_start3A_320 = arith.constant 0 : i32
        %dma_start3A_321 = arith.constant 0 : i32
        %dma_start3A_322 = tpu.memref_slice %arg3[%arg0, %dma_start3A_320, %dma_start3A_321] : memref<2x10000x128xf32, #tpu.memory_space<hbm>> -> memref<1x10000x128xf32, #tpu.memory_space<hbm>>
        %dma_start3A_323 = tpu.memref_squeeze %dma_start3A_322 : memref<1x10000x128xf32, #tpu.memory_space<hbm>> -> memref<10000x128xf32, #tpu.memory_space<hbm>>
        %dma_start3A_324 = arith.constant 0 : i32
        %dma_start3A_325 = arith.constant 0 : i32
        %dma_start3A_326 = tpu.memref_slice %dma_start3A_323[%dma_start3A_324, %dma_start3A_325] : memref<10000x128xf32, #tpu.memory_space<hbm>> -> memref<10000x128xf32, #tpu.memory_space<hbm>>
        tpu.enqueue_indirect_dma source(%dma_start3A_326 : memref<10000x128xf32, #tpu.memory_space<hbm>>) target(%arg10 : memref<128x128xf32, #tpu.memory_space<vmem>>) offsets(%dma_start3A_319 : memref<128xi32, #tpu.memory_space<vmem>>) semaphore(%arg17 : memref<!tpu.dma_semaphore, #tpu.memory_space<semaphore_mem>>)
      } else {
      }
      %add3A_209 = arith.constant 2 : i32
      %add3A_210 = arith.addi %add3A_125, %add3A_209 : i32
      %dma_wait3A_211 = arith.constant 0 : i32
      %dma_wait3A_212 = arith.constant 0 : i32
      %dma_wait3A_213 = tpu.memref_slice %arg8[%dma_wait3A_211, %dma_wait3A_212] : memref<2x128xi32, #tpu.memory_space<vmem>> -> memref<1x128xi32, #tpu.memory_space<vmem>>
      %dma_wait3A_214 = tpu.memref_squeeze %dma_wait3A_213 : memref<1x128xi32, #tpu.memory_space<vmem>> -> memref<128xi32, #tpu.memory_space<vmem>>
      %dma_wait3A_215 = arith.constant 0 : i32
      %dma_wait3A_216 = arith.constant 0 : i32
      %dma_wait3A_217 = tpu.memref_slice %arg3[%arg0, %dma_wait3A_215, %dma_wait3A_216] : memref<2x10000x128xf32, #tpu.memory_space<hbm>> -> memref<1x10000x128xf32, #tpu.memory_space<hbm>>
      %dma_wait3A_218 = tpu.memref_squeeze %dma_wait3A_217 : memref<1x10000x128xf32, #tpu.memory_space<hbm>> -> memref<10000x128xf32, #tpu.memory_space<hbm>>
      %dma_wait3A_219 = arith.constant 0 : i32
      %dma_wait3A_220 = arith.constant 0 : i32
      %dma_wait3A_221 = tpu.memref_slice %dma_wait3A_218[%dma_wait3A_219, %dma_wait3A_220] : memref<10000x128xf32, #tpu.memory_space<hbm>> -> memref<10000x128xf32, #tpu.memory_space<hbm>>
      tpu.wait_indirect_dma semaphore(%arg17 : memref<!tpu.dma_semaphore, #tpu.memory_space<semaphore_mem>>) src(%dma_wait3A_221 : memref<10000x128xf32, #tpu.memory_space<hbm>>) dst(%arg10 : memref<128x128xf32, #tpu.memory_space<vmem>>)
      %dma_start3A_222 = arith.constant 1 : i32
      %dma_start3A_223 = arith.constant 0 : i32
      %dma_start3A_224 = tpu.memref_slice %arg8[%dma_start3A_222, %dma_start3A_223] : memref<2x128xi32, #tpu.memory_space<vmem>> -> memref<1x128xi32, #tpu.memory_space<vmem>>
      %dma_start3A_225 = tpu.memref_squeeze %dma_start3A_224 : memref<1x128xi32, #tpu.memory_space<vmem>> -> memref<128xi32, #tpu.memory_space<vmem>>
      %dma_start3A_226 = arith.constant 0 : i32
      %dma_start3A_227 = arith.constant 0 : i32
      %dma_start3A_228 = tpu.memref_slice %arg12[%dma_start3A_226, %dma_start3A_227] : memref<10240x128xf32, #tpu.memory_space<vmem_shared>> -> memref<10240x128xf32, #tpu.memory_space<vmem_shared>>
      tpu.enqueue_indirect_dma source(%arg10 : memref<128x128xf32, #tpu.memory_space<vmem>>) target(%dma_start3A_228 : memref<10240x128xf32, #tpu.memory_space<vmem_shared>>) offsets(%dma_start3A_225 : memref<128xi32, #tpu.memory_space<vmem>>) semaphore(%arg19 : memref<!tpu.dma_semaphore, #tpu.memory_space<semaphore_mem>>) {add = true}
      %gt3A_229 = arith.constant 0 : i32
      %gt3A_230 = arith.cmpi sgt, %add3A_210, %gt3A_229 : i32
      %convert_element_type3A_231 = arith.extui %gt3A_230 : i1 to i32
      %cond3A_232 = arith.constant 0 : i32
      %cond3A_233 = arith.cmpi ne, %convert_element_type3A_231, %cond3A_232 : i32
      scf.if %cond3A_233 {
        %dma_wait3A_297 = arith.constant 1 : i32
        %dma_wait3A_298 = arith.constant 0 : i32
        %dma_wait3A_299 = tpu.memref_slice %arg7[%dma_wait3A_297, %dma_wait3A_298] : memref<2x128xi32, #tpu.memory_space<vmem>> -> memref<1x128xi32, #tpu.memory_space<vmem>>
        %dma_wait3A_300 = tpu.memref_squeeze %dma_wait3A_299 : memref<1x128xi32, #tpu.memory_space<vmem>> -> memref<128xi32, #tpu.memory_space<vmem>>
        %dma_wait3A_301 = arith.constant 0 : i32
        %dma_wait3A_302 = arith.constant 0 : i32
        %dma_wait3A_303 = tpu.memref_slice %arg12[%dma_wait3A_301, %dma_wait3A_302] : memref<10240x128xf32, #tpu.memory_space<vmem_shared>> -> memref<10240x128xf32, #tpu.memory_space<vmem_shared>>
        tpu.wait_indirect_dma semaphore(%arg20 : memref<!tpu.dma_semaphore, #tpu.memory_space<semaphore_mem>>) src(%arg11 : memref<128x128xf32, #tpu.memory_space<vmem>>) dst(%dma_wait3A_303 : memref<10240x128xf32, #tpu.memory_space<vmem_shared>>)
      } else {
      }
      %gt3A_234 = arith.constant 0 : i32
      %gt3A_235 = arith.cmpi sgt, %add3A_210, %gt3A_234 : i32
      %add3A_236 = arith.constant 2 : i32
      %add3A_237 = arith.addi %add3A_210, %add3A_236 : i32
      %add3A_238 = arith.constant 1 : i32
      %add3A_239 = arith.addi %add3A_237, %add3A_238 : i32
      %lt3A_240 = arith.constant 80 : i32
      %lt3A_241 = arith.cmpi slt, %add3A_239, %lt3A_240 : i32
      %and3A_242 = arith.andi %gt3A_235, %lt3A_241 : i1
      %convert_element_type3A_243 = arith.extui %and3A_242 : i1 to i32
      %cond3A_244 = arith.constant 0 : i32
      %cond3A_245 = arith.cmpi ne, %convert_element_type3A_243, %cond3A_244 : i32
      scf.if %cond3A_245 {
        %add3A_297 = arith.constant 2 : i32
        %add3A_298 = arith.addi %add3A_210, %add3A_297 : i32
        %add3A_299 = arith.constant 1 : i32
        %add3A_300 = arith.addi %add3A_298, %add3A_299 : i32
        %dma_start3A_301 = arith.constant 0 : i32
        %dma_start3A_302 = arith.constant 0 : i32
        %dma_start3A_303 = arith.constant 0 : i32
        %dma_start3A_304 = tpu.memref_slice %arg2[%arg1, %dma_start3A_301, %dma_start3A_302, %dma_start3A_303] : memref<16x80x2x128xi32, #tpu.memory_space<hbm>> -> memref<1x80x2x128xi32, #tpu.memory_space<hbm>>
        %dma_start3A_305 = tpu.memref_squeeze %dma_start3A_304 : memref<1x80x2x128xi32, #tpu.memory_space<hbm>> -> memref<80x2x128xi32, #tpu.memory_space<hbm>>
        %dma_start3A_306 = arith.constant 0 : i32
        %dma_start3A_307 = arith.constant 0 : i32
        %dma_start3A_308 = tpu.memref_slice %dma_start3A_305[%add3A_300, %dma_start3A_306, %dma_start3A_307] : memref<80x2x128xi32, #tpu.memory_space<hbm>> -> memref<1x2x128xi32, #tpu.memory_space<hbm>>
        %dma_start3A_309 = tpu.memref_squeeze %dma_start3A_308 : memref<1x2x128xi32, #tpu.memory_space<hbm>> -> memref<2x128xi32, #tpu.memory_space<hbm>>
        %dma_start3A_310 = arith.constant 0 : i32
        %dma_start3A_311 = arith.constant 0 : i32
        %dma_start3A_312 = arith.constant 0 : i32
        %dma_start3A_313 = tpu.memref_slice %arg2[%arg1, %dma_start3A_310, %dma_start3A_311, %dma_start3A_312] : memref<16x80x2x128xi32, #tpu.memory_space<hbm>> -> memref<1x80x2x128xi32, #tpu.memory_space<hbm>>
        %dma_start3A_314 = tpu.memref_squeeze %dma_start3A_313 : memref<1x80x2x128xi32, #tpu.memory_space<hbm>> -> memref<80x2x128xi32, #tpu.memory_space<hbm>>
        %dma_start3A_315 = arith.constant 0 : i32
        %dma_start3A_316 = arith.constant 0 : i32
        %dma_start3A_317 = tpu.memref_slice %dma_start3A_314[%add3A_300, %dma_start3A_315, %dma_start3A_316] : memref<80x2x128xi32, #tpu.memory_space<hbm>> -> memref<1x2x128xi32, #tpu.memory_space<hbm>>
        %dma_start3A_318 = tpu.memref_squeeze %dma_start3A_317 : memref<1x2x128xi32, #tpu.memory_space<hbm>> -> memref<2x128xi32, #tpu.memory_space<hbm>>
        tpu.enqueue_dma source(%dma_start3A_318 : memref<2x128xi32, #tpu.memory_space<hbm>>) target(%arg7 : memref<2x128xi32, #tpu.memory_space<vmem>>) target_semaphore(%arg14 : memref<!tpu.dma_semaphore, #tpu.memory_space<semaphore_mem>>)
      } else {
      }
      %add3A_246 = arith.constant 1 : i32
      %add3A_247 = arith.addi %add3A_210, %add3A_246 : i32
      %lt3A_248 = arith.constant 80 : i32
      %lt3A_249 = arith.cmpi slt, %add3A_247, %lt3A_248 : i32
      %convert_element_type3A_250 = arith.extui %lt3A_249 : i1 to i32
      %cond3A_251 = arith.constant 0 : i32
      %cond3A_252 = arith.cmpi ne, %convert_element_type3A_250, %cond3A_251 : i32
      scf.if %cond3A_252 {
        %dma_wait3A_297 = arith.constant 0 : i32
        %dma_wait3A_298 = arith.constant 0 : i32
        %dma_wait3A_299 = arith.constant 0 : i32
        %dma_wait3A_300 = arith.constant 0 : i32
        %dma_wait3A_301 = tpu.memref_slice %arg2[%arg1, %dma_wait3A_298, %dma_wait3A_299, %dma_wait3A_300] : memref<16x80x2x128xi32, #tpu.memory_space<hbm>> -> memref<1x80x2x128xi32, #tpu.memory_space<hbm>>
        %dma_wait3A_302 = tpu.memref_squeeze %dma_wait3A_301 : memref<1x80x2x128xi32, #tpu.memory_space<hbm>> -> memref<80x2x128xi32, #tpu.memory_space<hbm>>
        %dma_wait3A_303 = arith.constant 0 : i32
        %dma_wait3A_304 = arith.constant 0 : i32
        %dma_wait3A_305 = tpu.memref_slice %dma_wait3A_302[%dma_wait3A_297, %dma_wait3A_303, %dma_wait3A_304] : memref<80x2x128xi32, #tpu.memory_space<hbm>> -> memref<1x2x128xi32, #tpu.memory_space<hbm>>
        %dma_wait3A_306 = tpu.memref_squeeze %dma_wait3A_305 : memref<1x2x128xi32, #tpu.memory_space<hbm>> -> memref<2x128xi32, #tpu.memory_space<hbm>>
        %dma_wait3A_307 = arith.constant 0 : i32
        %dma_wait3A_308 = arith.constant 0 : i32
        %dma_wait3A_309 = arith.constant 0 : i32
        %dma_wait3A_310 = tpu.memref_slice %arg2[%arg1, %dma_wait3A_307, %dma_wait3A_308, %dma_wait3A_309] : memref<16x80x2x128xi32, #tpu.memory_space<hbm>> -> memref<1x80x2x128xi32, #tpu.memory_space<hbm>>
        %dma_wait3A_311 = tpu.memref_squeeze %dma_wait3A_310 : memref<1x80x2x128xi32, #tpu.memory_space<hbm>> -> memref<80x2x128xi32, #tpu.memory_space<hbm>>
        %dma_wait3A_312 = arith.constant 0 : i32
        %dma_wait3A_313 = arith.constant 0 : i32
        %dma_wait3A_314 = tpu.memref_slice %dma_wait3A_311[%dma_wait3A_297, %dma_wait3A_312, %dma_wait3A_313] : memref<80x2x128xi32, #tpu.memory_space<hbm>> -> memref<1x2x128xi32, #tpu.memory_space<hbm>>
        %dma_wait3A_315 = tpu.memref_squeeze %dma_wait3A_314 : memref<1x2x128xi32, #tpu.memory_space<hbm>> -> memref<2x128xi32, #tpu.memory_space<hbm>>
        tpu.wait_dma2 semaphore(%arg16 : memref<!tpu.dma_semaphore, #tpu.memory_space<semaphore_mem>>) src(%dma_wait3A_315 : memref<2x128xi32, #tpu.memory_space<hbm>>) dst(%arg9 : memref<2x128xi32, #tpu.memory_space<vmem>>)
        %dma_start3A_316 = arith.constant 0 : i32
        %dma_start3A_317 = arith.constant 0 : i32
        %dma_start3A_318 = tpu.memref_slice %arg9[%dma_start3A_316, %dma_start3A_317] : memref<2x128xi32, #tpu.memory_space<vmem>> -> memref<1x128xi32, #tpu.memory_space<vmem>>
        %dma_start3A_319 = tpu.memref_squeeze %dma_start3A_318 : memref<1x128xi32, #tpu.memory_space<vmem>> -> memref<128xi32, #tpu.memory_space<vmem>>
        %dma_start3A_320 = arith.constant 0 : i32
        %dma_start3A_321 = arith.constant 0 : i32
        %dma_start3A_322 = tpu.memref_slice %arg3[%arg0, %dma_start3A_320, %dma_start3A_321] : memref<2x10000x128xf32, #tpu.memory_space<hbm>> -> memref<1x10000x128xf32, #tpu.memory_space<hbm>>
        %dma_start3A_323 = tpu.memref_squeeze %dma_start3A_322 : memref<1x10000x128xf32, #tpu.memory_space<hbm>> -> memref<10000x128xf32, #tpu.memory_space<hbm>>
        %dma_start3A_324 = arith.constant 0 : i32
        %dma_start3A_325 = arith.constant 0 : i32
        %dma_start3A_326 = tpu.memref_slice %dma_start3A_323[%dma_start3A_324, %dma_start3A_325] : memref<10000x128xf32, #tpu.memory_space<hbm>> -> memref<10000x128xf32, #tpu.memory_space<hbm>>
        tpu.enqueue_indirect_dma source(%dma_start3A_326 : memref<10000x128xf32, #tpu.memory_space<hbm>>) target(%arg11 : memref<128x128xf32, #tpu.memory_space<vmem>>) offsets(%dma_start3A_319 : memref<128xi32, #tpu.memory_space<vmem>>) semaphore(%arg18 : memref<!tpu.dma_semaphore, #tpu.memory_space<semaphore_mem>>)
      } else {
      }
      %add3A_253 = arith.constant 3 : i32
      %add3A_254 = arith.addi %add3A_125, %add3A_253 : i32
      %dma_wait3A_255 = arith.constant 0 : i32
      %dma_wait3A_256 = arith.constant 0 : i32
      %dma_wait3A_257 = tpu.memref_slice %arg9[%dma_wait3A_255, %dma_wait3A_256] : memref<2x128xi32, #tpu.memory_space<vmem>> -> memref<1x128xi32, #tpu.memory_space<vmem>>
      %dma_wait3A_258 = tpu.memref_squeeze %dma_wait3A_257 : memref<1x128xi32, #tpu.memory_space<vmem>> -> memref<128xi32, #tpu.memory_space<vmem>>
      %dma_wait3A_259 = arith.constant 0 : i32
      %dma_wait3A_260 = arith.constant 0 : i32
      %dma_wait3A_261 = tpu.memref_slice %arg3[%arg0, %dma_wait3A_259, %dma_wait3A_260] : memref<2x10000x128xf32, #tpu.memory_space<hbm>> -> memref<1x10000x128xf32, #tpu.memory_space<hbm>>
      %dma_wait3A_262 = tpu.memref_squeeze %dma_wait3A_261 : memref<1x10000x128xf32, #tpu.memory_space<hbm>> -> memref<10000x128xf32, #tpu.memory_space<hbm>>
      %dma_wait3A_263 = arith.constant 0 : i32
      %dma_wait3A_264 = arith.constant 0 : i32
      %dma_wait3A_265 = tpu.memref_slice %dma_wait3A_262[%dma_wait3A_263, %dma_wait3A_264] : memref<10000x128xf32, #tpu.memory_space<hbm>> -> memref<10000x128xf32, #tpu.memory_space<hbm>>
      tpu.wait_indirect_dma semaphore(%arg18 : memref<!tpu.dma_semaphore, #tpu.memory_space<semaphore_mem>>) src(%dma_wait3A_265 : memref<10000x128xf32, #tpu.memory_space<hbm>>) dst(%arg11 : memref<128x128xf32, #tpu.memory_space<vmem>>)
      %dma_start3A_266 = arith.constant 1 : i32
      %dma_start3A_267 = arith.constant 0 : i32
      %dma_start3A_268 = tpu.memref_slice %arg9[%dma_start3A_266, %dma_start3A_267] : memref<2x128xi32, #tpu.memory_space<vmem>> -> memref<1x128xi32, #tpu.memory_space<vmem>>
      %dma_start3A_269 = tpu.memref_squeeze %dma_start3A_268 : memref<1x128xi32, #tpu.memory_space<vmem>> -> memref<128xi32, #tpu.memory_space<vmem>>
      %dma_start3A_270 = arith.constant 0 : i32
      %dma_start3A_271 = arith.constant 0 : i32
      %dma_start3A_272 = tpu.memref_slice %arg12[%dma_start3A_270, %dma_start3A_271] : memref<10240x128xf32, #tpu.memory_space<vmem_shared>> -> memref<10240x128xf32, #tpu.memory_space<vmem_shared>>
      tpu.enqueue_indirect_dma source(%arg11 : memref<128x128xf32, #tpu.memory_space<vmem>>) target(%dma_start3A_272 : memref<10240x128xf32, #tpu.memory_space<vmem_shared>>) offsets(%dma_start3A_269 : memref<128xi32, #tpu.memory_space<vmem>>) semaphore(%arg20 : memref<!tpu.dma_semaphore, #tpu.memory_space<semaphore_mem>>) {add = true}
      %gt3A_273 = arith.constant 0 : i32
      %gt3A_274 = arith.cmpi sgt, %add3A_254, %gt3A_273 : i32
      %convert_element_type3A_275 = arith.extui %gt3A_274 : i1 to i32
      %cond3A_276 = arith.constant 0 : i32
      %cond3A_277 = arith.cmpi ne, %convert_element_type3A_275, %cond3A_276 : i32
      scf.if %cond3A_277 {
        %dma_wait3A_297 = arith.constant 1 : i32
        %dma_wait3A_298 = arith.constant 0 : i32
        %dma_wait3A_299 = tpu.memref_slice %arg8[%dma_wait3A_297, %dma_wait3A_298] : memref<2x128xi32, #tpu.memory_space<vmem>> -> memref<1x128xi32, #tpu.memory_space<vmem>>
        %dma_wait3A_300 = tpu.memref_squeeze %dma_wait3A_299 : memref<1x128xi32, #tpu.memory_space<vmem>> -> memref<128xi32, #tpu.memory_space<vmem>>
        %dma_wait3A_301 = arith.constant 0 : i32
        %dma_wait3A_302 = arith.constant 0 : i32
        %dma_wait3A_303 = tpu.memref_slice %arg12[%dma_wait3A_301, %dma_wait3A_302] : memref<10240x128xf32, #tpu.memory_space<vmem_shared>> -> memref<10240x128xf32, #tpu.memory_space<vmem_shared>>
        tpu.wait_indirect_dma semaphore(%arg19 : memref<!tpu.dma_semaphore, #tpu.memory_space<semaphore_mem>>) src(%arg10 : memref<128x128xf32, #tpu.memory_space<vmem>>) dst(%dma_wait3A_303 : memref<10240x128xf32, #tpu.memory_space<vmem_shared>>)
      } else {
      }
      %gt3A_278 = arith.constant 0 : i32
      %gt3A_279 = arith.cmpi sgt, %add3A_254, %gt3A_278 : i32
      %add3A_280 = arith.constant 2 : i32
      %add3A_281 = arith.addi %add3A_254, %add3A_280 : i32
      %add3A_282 = arith.constant 1 : i32
      %add3A_283 = arith.addi %add3A_281, %add3A_282 : i32
      %lt3A_284 = arith.constant 80 : i32
      %lt3A_285 = arith.cmpi slt, %add3A_283, %lt3A_284 : i32
      %and3A_286 = arith.andi %gt3A_279, %lt3A_285 : i1
      %convert_element_type3A_287 = arith.extui %and3A_286 : i1 to i32
      %cond3A_288 = arith.constant 0 : i32
      %cond3A_289 = arith.cmpi ne, %convert_element_type3A_287, %cond3A_288 : i32
      scf.if %cond3A_289 {
        %add3A_297 = arith.constant 2 : i32
        %add3A_298 = arith.addi %add3A_254, %add3A_297 : i32
        %add3A_299 = arith.constant 1 : i32
        %add3A_300 = arith.addi %add3A_298, %add3A_299 : i32
        %dma_start3A_301 = arith.constant 0 : i32
        %dma_start3A_302 = arith.constant 0 : i32
        %dma_start3A_303 = arith.constant 0 : i32
        %dma_start3A_304 = tpu.memref_slice %arg2[%arg1, %dma_start3A_301, %dma_start3A_302, %dma_start3A_303] : memref<16x80x2x128xi32, #tpu.memory_space<hbm>> -> memref<1x80x2x128xi32, #tpu.memory_space<hbm>>
        %dma_start3A_305 = tpu.memref_squeeze %dma_start3A_304 : memref<1x80x2x128xi32, #tpu.memory_space<hbm>> -> memref<80x2x128xi32, #tpu.memory_space<hbm>>
        %dma_start3A_306 = arith.constant 0 : i32
        %dma_start3A_307 = arith.constant 0 : i32
        %dma_start3A_308 = tpu.memref_slice %dma_start3A_305[%add3A_300, %dma_start3A_306, %dma_start3A_307] : memref<80x2x128xi32, #tpu.memory_space<hbm>> -> memref<1x2x128xi32, #tpu.memory_space<hbm>>
        %dma_start3A_309 = tpu.memref_squeeze %dma_start3A_308 : memref<1x2x128xi32, #tpu.memory_space<hbm>> -> memref<2x128xi32, #tpu.memory_space<hbm>>
        %dma_start3A_310 = arith.constant 0 : i32
        %dma_start3A_311 = arith.constant 0 : i32
        %dma_start3A_312 = arith.constant 0 : i32
        %dma_start3A_313 = tpu.memref_slice %arg2[%arg1, %dma_start3A_310, %dma_start3A_311, %dma_start3A_312] : memref<16x80x2x128xi32, #tpu.memory_space<hbm>> -> memref<1x80x2x128xi32, #tpu.memory_space<hbm>>
        %dma_start3A_314 = tpu.memref_squeeze %dma_start3A_313 : memref<1x80x2x128xi32, #tpu.memory_space<hbm>> -> memref<80x2x128xi32, #tpu.memory_space<hbm>>
        %dma_start3A_315 = arith.constant 0 : i32
        %dma_start3A_316 = arith.constant 0 : i32
        %dma_start3A_317 = tpu.memref_slice %dma_start3A_314[%add3A_300, %dma_start3A_315, %dma_start3A_316] : memref<80x2x128xi32, #tpu.memory_space<hbm>> -> memref<1x2x128xi32, #tpu.memory_space<hbm>>
        %dma_start3A_318 = tpu.memref_squeeze %dma_start3A_317 : memref<1x2x128xi32, #tpu.memory_space<hbm>> -> memref<2x128xi32, #tpu.memory_space<hbm>>
        tpu.enqueue_dma source(%dma_start3A_318 : memref<2x128xi32, #tpu.memory_space<hbm>>) target(%arg8 : memref<2x128xi32, #tpu.memory_space<vmem>>) target_semaphore(%arg15 : memref<!tpu.dma_semaphore, #tpu.memory_space<semaphore_mem>>)
      } else {
      }
      %add3A_290 = arith.constant 1 : i32
      %add3A_291 = arith.addi %add3A_254, %add3A_290 : i32
      %lt3A_292 = arith.constant 80 : i32
      %lt3A_293 = arith.cmpi slt, %add3A_291, %lt3A_292 : i32
      %convert_element_type3A_294 = arith.extui %lt3A_293 : i1 to i32
      %cond3A_295 = arith.constant 0 : i32
      %cond3A_296 = arith.cmpi ne, %convert_element_type3A_294, %cond3A_295 : i32
      scf.if %cond3A_296 {
        %dma_wait3A_297 = arith.constant 0 : i32
        %dma_wait3A_298 = arith.constant 0 : i32
        %dma_wait3A_299 = arith.constant 0 : i32
        %dma_wait3A_300 = arith.constant 0 : i32
        %dma_wait3A_301 = tpu.memref_slice %arg2[%arg1, %dma_wait3A_298, %dma_wait3A_299, %dma_wait3A_300] : memref<16x80x2x128xi32, #tpu.memory_space<hbm>> -> memref<1x80x2x128xi32, #tpu.memory_space<hbm>>
        %dma_wait3A_302 = tpu.memref_squeeze %dma_wait3A_301 : memref<1x80x2x128xi32, #tpu.memory_space<hbm>> -> memref<80x2x128xi32, #tpu.memory_space<hbm>>
        %dma_wait3A_303 = arith.constant 0 : i32
        %dma_wait3A_304 = arith.constant 0 : i32
        %dma_wait3A_305 = tpu.memref_slice %dma_wait3A_302[%dma_wait3A_297, %dma_wait3A_303, %dma_wait3A_304] : memref<80x2x128xi32, #tpu.memory_space<hbm>> -> memref<1x2x128xi32, #tpu.memory_space<hbm>>
        %dma_wait3A_306 = tpu.memref_squeeze %dma_wait3A_305 : memref<1x2x128xi32, #tpu.memory_space<hbm>> -> memref<2x128xi32, #tpu.memory_space<hbm>>
        %dma_wait3A_307 = arith.constant 0 : i32
        %dma_wait3A_308 = arith.constant 0 : i32
        %dma_wait3A_309 = arith.constant 0 : i32
        %dma_wait3A_310 = tpu.memref_slice %arg2[%arg1, %dma_wait3A_307, %dma_wait3A_308, %dma_wait3A_309] : memref<16x80x2x128xi32, #tpu.memory_space<hbm>> -> memref<1x80x2x128xi32, #tpu.memory_space<hbm>>
        %dma_wait3A_311 = tpu.memref_squeeze %dma_wait3A_310 : memref<1x80x2x128xi32, #tpu.memory_space<hbm>> -> memref<80x2x128xi32, #tpu.memory_space<hbm>>
        %dma_wait3A_312 = arith.constant 0 : i32
        %dma_wait3A_313 = arith.constant 0 : i32
        %dma_wait3A_314 = tpu.memref_slice %dma_wait3A_311[%dma_wait3A_297, %dma_wait3A_312, %dma_wait3A_313] : memref<80x2x128xi32, #tpu.memory_space<hbm>> -> memref<1x2x128xi32, #tpu.memory_space<hbm>>
        %dma_wait3A_315 = tpu.memref_squeeze %dma_wait3A_314 : memref<1x2x128xi32, #tpu.memory_space<hbm>> -> memref<2x128xi32, #tpu.memory_space<hbm>>
        tpu.wait_dma2 semaphore(%arg13 : memref<!tpu.dma_semaphore, #tpu.memory_space<semaphore_mem>>) src(%dma_wait3A_315 : memref<2x128xi32, #tpu.memory_space<hbm>>) dst(%arg6 : memref<2x128xi32, #tpu.memory_space<vmem>>)
        %dma_start3A_316 = arith.constant 0 : i32
        %dma_start3A_317 = arith.constant 0 : i32
        %dma_start3A_318 = tpu.memref_slice %arg6[%dma_start3A_316, %dma_start3A_317] : memref<2x128xi32, #tpu.memory_space<vmem>> -> memref<1x128xi32, #tpu.memory_space<vmem>>
        %dma_start3A_319 = tpu.memref_squeeze %dma_start3A_318 : memref<1x128xi32, #tpu.memory_space<vmem>> -> memref<128xi32, #tpu.memory_space<vmem>>
        %dma_start3A_320 = arith.constant 0 : i32
        %dma_start3A_321 = arith.constant 0 : i32
        %dma_start3A_322 = tpu.memref_slice %arg3[%arg0, %dma_start3A_320, %dma_start3A_321] : memref<2x10000x128xf32, #tpu.memory_space<hbm>> -> memref<1x10000x128xf32, #tpu.memory_space<hbm>>
        %dma_start3A_323 = tpu.memref_squeeze %dma_start3A_322 : memref<1x10000x128xf32, #tpu.memory_space<hbm>> -> memref<10000x128xf32, #tpu.memory_space<hbm>>
        %dma_start3A_324 = arith.constant 0 : i32
        %dma_start3A_325 = arith.constant 0 : i32
        %dma_start3A_326 = tpu.memref_slice %dma_start3A_323[%dma_start3A_324, %dma_start3A_325] : memref<10000x128xf32, #tpu.memory_space<hbm>> -> memref<10000x128xf32, #tpu.memory_space<hbm>>
        tpu.enqueue_indirect_dma source(%dma_start3A_326 : memref<10000x128xf32, #tpu.memory_space<hbm>>) target(%arg10 : memref<128x128xf32, #tpu.memory_space<vmem>>) offsets(%dma_start3A_319 : memref<128xi32, #tpu.memory_space<vmem>>) semaphore(%arg17 : memref<!tpu.dma_semaphore, #tpu.memory_space<semaphore_mem>>)
      } else {
      }
    }
    %scan3A_108 = arith.constant 20 : i32
    %dma_wait3A_109 = arith.constant 1 : i32
    %dma_wait3A_110 = arith.constant 0 : i32
    %dma_wait3A_111 = tpu.memref_slice %arg9[%dma_wait3A_109, %dma_wait3A_110] : memref<2x128xi32, #tpu.memory_space<vmem>> -> memref<1x128xi32, #tpu.memory_space<vmem>>
    %dma_wait3A_112 = tpu.memref_squeeze %dma_wait3A_111 : memref<1x128xi32, #tpu.memory_space<vmem>> -> memref<128xi32, #tpu.memory_space<vmem>>
    %dma_wait3A_113 = arith.constant 0 : i32
    %dma_wait3A_114 = arith.constant 0 : i32
    %dma_wait3A_115 = tpu.memref_slice %arg12[%dma_wait3A_113, %dma_wait3A_114] : memref<10240x128xf32, #tpu.memory_space<vmem_shared>> -> memref<10240x128xf32, #tpu.memory_space<vmem_shared>>
    tpu.wait_indirect_dma semaphore(%arg20 : memref<!tpu.dma_semaphore, #tpu.memory_space<semaphore_mem>>) src(%arg11 : memref<128x128xf32, #tpu.memory_space<vmem>>) dst(%dma_wait3A_115 : memref<10240x128xf32, #tpu.memory_space<vmem_shared>>)
    %barrier3A_116 = arith.constant 0 : index
    tpu.barrier barrier_id(%barrier3A_116)
    %scan3A_117 = arith.constant 0 : i32
    %scan3A_118 = arith.constant 5 : i32
    %scan3A_119 = arith.addi %scan3A_117, %scan3A_118 : i32
    %scan3A_120 = arith.constant 1 : i32
    scf.for %scan3A_122 = %scan3A_117 to %scan3A_119 step %scan3A_120  : i32 {
      %mul3A_123 = arith.constant 1 : i32
      %mul3A_124 = arith.muli %scan3A_122, %mul3A_123 : i32
      %add3A = arith.constant 0 : i32
      %add3A_125 = arith.addi %add3A, %mul3A_124 : i32
      %mul3A_126 = arith.constant 640 : i32
      %mul3A_127 = arith.muli %arg1, %mul3A_126 : i32
      %mul3A_128 = arith.constant 128 : i32
      %mul3A_129 = arith.muli %add3A_125, %mul3A_128 : i32
      %add3A_130 = arith.addi %mul3A_127, %mul3A_129 : i32
      "tpu.region"() ({
        %run_scoped3A = tpu.sem_alloc : memref<!tpu.dma_semaphore, #tpu.memory_space<semaphore_mem>>
        %dma_start3A_131 = arith.constant 0 : i32
        %dma_start3A_132 = arith.constant 0 : i32
        %dma_start3A_133 = tpu.memref_slice %arg10[%dma_start3A_131, %dma_start3A_132] : memref<128x128xf32, #tpu.memory_space<vmem>> -> memref<128x128xf32, #tpu.memory_space<vmem>>
        %dma_start3A_134 = arith.constant 0 : i32
        %dma_start3A_135 = tpu.memref_slice %arg12[%add3A_130, %dma_start3A_134] : memref<10240x128xf32, #tpu.memory_space<vmem_shared>> -> memref<128x128xf32, #tpu.memory_space<vmem_shared>>
        %dma_start3A_136 = arith.constant 0 : i32
        %dma_start3A_137 = arith.constant 0 : i32
        %dma_start3A_138 = tpu.memref_slice %arg10[%dma_start3A_136, %dma_start3A_137] : memref<128x128xf32, #tpu.memory_space<vmem>> -> memref<128x128xf32, #tpu.memory_space<vmem>>
        %dma_start3A_139 = arith.constant 0 : i32
        %dma_start3A_140 = tpu.memref_slice %arg12[%add3A_130, %dma_start3A_139] : memref<10240x128xf32, #tpu.memory_space<vmem_shared>> -> memref<128x128xf32, #tpu.memory_space<vmem_shared>>
        tpu.enqueue_dma source(%dma_start3A_140 : memref<128x128xf32, #tpu.memory_space<vmem_shared>>) target(%dma_start3A_138 : memref<128x128xf32, #tpu.memory_space<vmem>>) target_semaphore(%run_scoped3A : memref<!tpu.dma_semaphore, #tpu.memory_space<semaphore_mem>>)
        %dma_wait3A_141 = arith.constant 0 : i32
        %dma_wait3A_142 = arith.constant 0 : i32
        %dma_wait3A_143 = tpu.memref_slice %arg10[%dma_wait3A_141, %dma_wait3A_142] : memref<128x128xf32, #tpu.memory_space<vmem>> -> memref<128x128xf32, #tpu.memory_space<vmem>>
        %dma_wait3A_144 = arith.constant 0 : i32
        %dma_wait3A_145 = tpu.memref_slice %arg12[%add3A_130, %dma_wait3A_144] : memref<10240x128xf32, #tpu.memory_space<vmem_shared>> -> memref<128x128xf32, #tpu.memory_space<vmem_shared>>
        %dma_wait3A_146 = arith.constant 0 : i32
        %dma_wait3A_147 = arith.constant 0 : i32
        %dma_wait3A_148 = tpu.memref_slice %arg10[%dma_wait3A_146, %dma_wait3A_147] : memref<128x128xf32, #tpu.memory_space<vmem>> -> memref<128x128xf32, #tpu.memory_space<vmem>>
        %dma_wait3A_149 = arith.constant 0 : i32
        %dma_wait3A_150 = tpu.memref_slice %arg12[%add3A_130, %dma_wait3A_149] : memref<10240x128xf32, #tpu.memory_space<vmem_shared>> -> memref<128x128xf32, #tpu.memory_space<vmem_shared>>
        tpu.wait_dma2 semaphore(%run_scoped3A : memref<!tpu.dma_semaphore, #tpu.memory_space<semaphore_mem>>) src(%dma_wait3A_150 : memref<128x128xf32, #tpu.memory_space<vmem_shared>>) dst(%dma_wait3A_148 : memref<128x128xf32, #tpu.memory_space<vmem>>)
        tpu.yield
      }) : () -> ()
      "tpu.region"() ({
        %run_scoped3A = tpu.sem_alloc : memref<!tpu.dma_semaphore, #tpu.memory_space<semaphore_mem>>
        %dma_start3A_131 = arith.constant 0 : i32
        %dma_start3A_132 = arith.constant 0 : i32
        %dma_start3A_133 = tpu.memref_slice %arg10[%dma_start3A_131, %dma_start3A_132] : memref<128x128xf32, #tpu.memory_space<vmem>> -> memref<128x128xf32, #tpu.memory_space<vmem>>
        %dma_start3A_134 = arith.constant 0 : i32
        %dma_start3A_135 = arith.constant 0 : i32
        %dma_start3A_136 = tpu.memref_slice %arg5[%arg0, %dma_start3A_134, %dma_start3A_135] : memref<2x10240x128xf32, #tpu.memory_space<hbm>> -> memref<1x10240x128xf32, #tpu.memory_space<hbm>>
        %dma_start3A_137 = tpu.memref_squeeze %dma_start3A_136 : memref<1x10240x128xf32, #tpu.memory_space<hbm>> -> memref<10240x128xf32, #tpu.memory_space<hbm>>
        %dma_start3A_138 = arith.constant 0 : i32
        %dma_start3A_139 = tpu.memref_slice %dma_start3A_137[%add3A_130, %dma_start3A_138] : memref<10240x128xf32, #tpu.memory_space<hbm>> -> memref<128x128xf32, #tpu.memory_space<hbm>>
        %dma_start3A_140 = arith.constant 0 : i32
        %dma_start3A_141 = arith.constant 0 : i32
        %dma_start3A_142 = tpu.memref_slice %arg5[%arg0, %dma_start3A_140, %dma_start3A_141] : memref<2x10240x128xf32, #tpu.memory_space<hbm>> -> memref<1x10240x128xf32, #tpu.memory_space<hbm>>
        %dma_start3A_143 = tpu.memref_squeeze %dma_start3A_142 : memref<1x10240x128xf32, #tpu.memory_space<hbm>> -> memref<10240x128xf32, #tpu.memory_space<hbm>>
        %dma_start3A_144 = arith.constant 0 : i32
        %dma_start3A_145 = tpu.memref_slice %dma_start3A_143[%add3A_130, %dma_start3A_144] : memref<10240x128xf32, #tpu.memory_space<hbm>> -> memref<128x128xf32, #tpu.memory_space<hbm>>
        %dma_start3A_146 = arith.constant 0 : i32
        %dma_start3A_147 = arith.constant 0 : i32
        %dma_start3A_148 = tpu.memref_slice %arg10[%dma_start3A_146, %dma_start3A_147] : memref<128x128xf32, #tpu.memory_space<vmem>> -> memref<128x128xf32, #tpu.memory_space<vmem>>
        tpu.enqueue_dma source(%dma_start3A_148 : memref<128x128xf32, #tpu.memory_space<vmem>>) target(%dma_start3A_145 : memref<128x128xf32, #tpu.memory_space<hbm>>) target_semaphore(%run_scoped3A : memref<!tpu.dma_semaphore, #tpu.memory_space<semaphore_mem>>)
        %dma_wait3A_149 = arith.constant 0 : i32
        %dma_wait3A_150 = arith.constant 0 : i32
        %dma_wait3A_151 = tpu.memref_slice %arg10[%dma_wait3A_149, %dma_wait3A_150] : memref<128x128xf32, #tpu.memory_space<vmem>> -> memref<128x128xf32, #tpu.memory_space<vmem>>
        %dma_wait3A_152 = arith.constant 0 : i32
        %dma_wait3A_153 = arith.constant 0 : i32
        %dma_wait3A_154 = tpu.memref_slice %arg5[%arg0, %dma_wait3A_152, %dma_wait3A_153] : memref<2x10240x128xf32, #tpu.memory_space<hbm>> -> memref<1x10240x128xf32, #tpu.memory_space<hbm>>
        %dma_wait3A_155 = tpu.memref_squeeze %dma_wait3A_154 : memref<1x10240x128xf32, #tpu.memory_space<hbm>> -> memref<10240x128xf32, #tpu.memory_space<hbm>>
        %dma_wait3A_156 = arith.constant 0 : i32
        %dma_wait3A_157 = tpu.memref_slice %dma_wait3A_155[%add3A_130, %dma_wait3A_156] : memref<10240x128xf32, #tpu.memory_space<hbm>> -> memref<128x128xf32, #tpu.memory_space<hbm>>
        %dma_wait3A_158 = arith.constant 0 : i32
        %dma_wait3A_159 = arith.constant 0 : i32
        %dma_wait3A_160 = tpu.memref_slice %arg5[%arg0, %dma_wait3A_158, %dma_wait3A_159] : memref<2x10240x128xf32, #tpu.memory_space<hbm>> -> memref<1x10240x128xf32, #tpu.memory_space<hbm>>
        %dma_wait3A_161 = tpu.memref_squeeze %dma_wait3A_160 : memref<1x10240x128xf32, #tpu.memory_space<hbm>> -> memref<10240x128xf32, #tpu.memory_space<hbm>>
        %dma_wait3A_162 = arith.constant 0 : i32
        %dma_wait3A_163 = tpu.memref_slice %dma_wait3A_161[%add3A_130, %dma_wait3A_162] : memref<10240x128xf32, #tpu.memory_space<hbm>> -> memref<128x128xf32, #tpu.memory_space<hbm>>
        %dma_wait3A_164 = arith.constant 0 : i32
        %dma_wait3A_165 = arith.constant 0 : i32
        %dma_wait3A_166 = tpu.memref_slice %arg10[%dma_wait3A_164, %dma_wait3A_165] : memref<128x128xf32, #tpu.memory_space<vmem>> -> memref<128x128xf32, #tpu.memory_space<vmem>>
        tpu.wait_dma2 semaphore(%run_scoped3A : memref<!tpu.dma_semaphore, #tpu.memory_space<semaphore_mem>>) src(%dma_wait3A_166 : memref<128x128xf32, #tpu.memory_space<vmem>>) dst(%dma_wait3A_163 : memref<128x128xf32, #tpu.memory_space<hbm>>)
        tpu.yield
      }) : () -> ()
    }
    %scan3A_121 = arith.constant 5 : i32
    return
  }
}

module attributes {stable_mosaic.version = 14 : i64} {
  func.func @_mm1_body(%arg0: i32, %arg1: memref<1000x256xf32, #tpu.memory_space<vmem>>, %arg2: memref<256x256xf32, #tpu.memory_space<vmem>>, %arg3: memref<2x1000x128xf32, #tpu.memory_space<vmem>>) attributes {dimension_semantics = [#tpu.dimension_semantics<arbitrary>], iteration_bounds = array<i64: 10>, scalar_prefetch = 0 : i64, scratch_operands = 0 : i64, tpu.core_type = #tpu.core_type<tc>, window_params = [{transform_indices = @transform_0, window_bounds = array<i64: 1000, 256>}, {pipeline_mode = #tpu.pipeline_mode<synchronous>, transform_indices = @transform_1, window_bounds = array<i64: 256, 256>}, {transform_indices = @transform_2, window_bounds = array<i64: 2, 1000, 128>}]} {
    %get3A = arith.constant 0 : index
    %get3A_0 = arith.constant 0 : index
    %get3A_1 = vector.load %arg1[%get3A, %get3A_0] : memref<1000x256xf32, #tpu.memory_space<vmem>>, vector<1000x256xf32>
    %get3A_2 = arith.constant 0 : index
    %get3A_3 = arith.constant 0 : index
    %get3A_4 = vector.load %arg2[%get3A_2, %get3A_3] : memref<256x256xf32, #tpu.memory_space<vmem>>, vector<256x256xf32>
    %dot_general3A = arith.constant dense<0.000000e+00> : vector<1000x256xf32>
    %dot_general3A_5 = tpu.matmul %get3A_1, %get3A_4, %dot_general3A {dimension_numbers = #tpu.dot_dimension_numbers<[1], [0], [0], [1], [0, 0, 1, 1], [], []>, transpose_lhs_hint = false} : vector<1000x256xf32>, vector<256x256xf32>, vector<1000x256xf32> -> vector<1000x256xf32>
    %slice3A = vector.extract_strided_slice %dot_general3A_5 {offsets = [0, 0], sizes = [1000, 128], strides = [1, 1]} : vector<1000x256xf32> to vector<1000x128xf32>
    %swap3A = arith.constant 0 : index
    %swap3A_6 = arith.constant 0 : index
    %swap3A_7 = arith.constant 0 : index
    %swap3A_8 = vector.load %arg3[%swap3A, %swap3A_6, %swap3A_7] : memref<2x1000x128xf32, #tpu.memory_space<vmem>>, vector<1x1000x128xf32>
    %swap3A_9 = vector.shape_cast %swap3A_8 : vector<1x1000x128xf32> to vector<1000x128xf32>
    %swap3A_10 = vector.shape_cast %slice3A : vector<1000x128xf32> to vector<1x1000x128xf32>
    tpu.vector_store %arg3[%swap3A, %swap3A_6, %swap3A_7], %swap3A_10 {strides = array<i32>} : memref<2x1000x128xf32, #tpu.memory_space<vmem>>, vector<1x1000x128xf32>,
    %slice3A_11 = vector.extract_strided_slice %dot_general3A_5 {offsets = [0, 128], sizes = [1000, 128], strides = [1, 1]} : vector<1000x256xf32> to vector<1000x128xf32>
    %swap3A_12 = arith.constant 1 : index
    %swap3A_13 = arith.constant 0 : index
    %swap3A_14 = arith.constant 0 : index
    %swap3A_15 = vector.load %arg3[%swap3A_12, %swap3A_13, %swap3A_14] : memref<2x1000x128xf32, #tpu.memory_space<vmem>>, vector<1x1000x128xf32>
    %swap3A_16 = vector.shape_cast %swap3A_15 : vector<1x1000x128xf32> to vector<1000x128xf32>
    %swap3A_17 = vector.shape_cast %slice3A_11 : vector<1000x128xf32> to vector<1x1000x128xf32>
    tpu.vector_store %arg3[%swap3A_12, %swap3A_13, %swap3A_14], %swap3A_17 {strides = array<i32>} : memref<2x1000x128xf32, #tpu.memory_space<vmem>>, vector<1x1000x128xf32>,
    return
  }
  func.func @transform_0(%arg0: i32) -> (i32, i32) {
    %c0_i32 = arith.constant 0 : i32
    %c0_i32_0 = arith.constant 0 : i32
    return %arg0, %c0_i32 : i32, i32
  }
  func.func @transform_1(%arg0: i32) -> (i32, i32) {
    %c0_i32 = arith.constant 0 : i32
    %c0_i32_0 = arith.constant 0 : i32
    %c0_i32_1 = arith.constant 0 : i32
    return %c0_i32, %c0_i32_0 : i32, i32
  }
  func.func @transform_2(%arg0: i32) -> (i32, i32, i32) {
    %c0_i32 = arith.constant 0 : i32
    %c0_i32_0 = arith.constant 0 : i32
    %c0_i32_1 = arith.constant 0 : i32
    return %c0_i32, %arg0, %c0_i32_0 : i32, i32, i32
  }
}

module attributes {stable_mosaic.version = 14 : i64} {
  func.func @_mm2_body(%arg0: i32, %arg1: memref<2x1000x128xf32, #tpu.memory_space<vmem>>, %arg2: memref<1x256xf32, #tpu.memory_space<vmem>>, %arg3: memref<256x256xf32, #tpu.memory_space<vmem>>, %arg4: memref<2x1000x128xf32, #tpu.memory_space<vmem>>) attributes {dimension_semantics = [#tpu.dimension_semantics<arbitrary>], iteration_bounds = array<i64: 10>, scalar_prefetch = 0 : i64, scratch_operands = 0 : i64, tpu.core_type = #tpu.core_type<tc>, window_params = [{transform_indices = @transform_0, window_bounds = array<i64: 2, 1000, 128>}, {pipeline_mode = #tpu.pipeline_mode<synchronous>, transform_indices = @transform_1, window_bounds = array<i64: 1, 256>}, {pipeline_mode = #tpu.pipeline_mode<synchronous>, transform_indices = @transform_2, window_bounds = array<i64: 256, 256>}, {transform_indices = @transform_3, window_bounds = array<i64: 2, 1000, 128>}]} {
    %get3A = arith.constant 0 : index
    %get3A_0 = arith.constant 0 : index
    %get3A_1 = arith.constant 0 : index
    %get3A_2 = vector.load %arg1[%get3A, %get3A_0, %get3A_1] : memref<2x1000x128xf32, #tpu.memory_space<vmem>>, vector<1x1000x128xf32>
    %get3A_3 = vector.shape_cast %get3A_2 : vector<1x1000x128xf32> to vector<1000x128xf32>
    %get3A_4 = arith.constant 1 : index
    %get3A_5 = arith.constant 0 : index
    %get3A_6 = arith.constant 0 : index
    %get3A_7 = vector.load %arg1[%get3A_4, %get3A_5, %get3A_6] : memref<2x1000x128xf32, #tpu.memory_space<vmem>>, vector<1x1000x128xf32>
    %get3A_8 = vector.shape_cast %get3A_7 : vector<1x1000x128xf32> to vector<1000x128xf32>
    %concatenate3A = tpu.concatenate %get3A_3, %get3A_8 in 1 : vector<1000x128xf32>, vector<1000x128xf32> -> vector<1000x256xf32>
    %get3A_9 = arith.constant 0 : index
    %get3A_10 = arith.constant 0 : index
    %get3A_11 = vector.load %arg2[%get3A_9, %get3A_10] : memref<1x256xf32, #tpu.memory_space<vmem>>, vector<1x256xf32>
    %add3A = vector.broadcast %get3A_11 : vector<1x256xf32> to vector<1000x256xf32>
    %add3A_12 = arith.addf %concatenate3A, %add3A : vector<1000x256xf32>
    %max3A = arith.constant 0.000000e+00 : f32
    %max3A_13 = vector.broadcast %max3A : f32 to vector<1000x256xf32>
    %max3A_14 = arith.maximumf %add3A_12, %max3A_13 : vector<1000x256xf32>
    %get3A_15 = arith.constant 0 : index
    %get3A_16 = arith.constant 0 : index
    %get3A_17 = vector.load %arg3[%get3A_15, %get3A_16] : memref<256x256xf32, #tpu.memory_space<vmem>>, vector<256x256xf32>
    %dot_general3A = arith.constant dense<0.000000e+00> : vector<1000x256xf32>
    %dot_general3A_18 = tpu.matmul %max3A_14, %get3A_17, %dot_general3A {dimension_numbers = #tpu.dot_dimension_numbers<[1], [0], [0], [1], [0, 0, 1, 1], [], []>, transpose_lhs_hint = false} : vector<1000x256xf32>, vector<256x256xf32>, vector<1000x256xf32> -> vector<1000x256xf32>
    %slice3A = vector.extract_strided_slice %dot_general3A_18 {offsets = [0, 0], sizes = [1000, 128], strides = [1, 1]} : vector<1000x256xf32> to vector<1000x128xf32>
    %swap3A = arith.constant 0 : index
    %swap3A_19 = arith.constant 0 : index
    %swap3A_20 = arith.constant 0 : index
    %swap3A_21 = vector.load %arg4[%swap3A, %swap3A_19, %swap3A_20] : memref<2x1000x128xf32, #tpu.memory_space<vmem>>, vector<1x1000x128xf32>
    %swap3A_22 = vector.shape_cast %swap3A_21 : vector<1x1000x128xf32> to vector<1000x128xf32>
    %swap3A_23 = vector.shape_cast %slice3A : vector<1000x128xf32> to vector<1x1000x128xf32>
    tpu.vector_store %arg4[%swap3A, %swap3A_19, %swap3A_20], %swap3A_23 {strides = array<i32>} : memref<2x1000x128xf32, #tpu.memory_space<vmem>>, vector<1x1000x128xf32>,
    %slice3A_24 = vector.extract_strided_slice %dot_general3A_18 {offsets = [0, 128], sizes = [1000, 128], strides = [1, 1]} : vector<1000x256xf32> to vector<1000x128xf32>
    %swap3A_25 = arith.constant 1 : index
    %swap3A_26 = arith.constant 0 : index
    %swap3A_27 = arith.constant 0 : index
    %swap3A_28 = vector.load %arg4[%swap3A_25, %swap3A_26, %swap3A_27] : memref<2x1000x128xf32, #tpu.memory_space<vmem>>, vector<1x1000x128xf32>
    %swap3A_29 = vector.shape_cast %swap3A_28 : vector<1x1000x128xf32> to vector<1000x128xf32>
    %swap3A_30 = vector.shape_cast %slice3A_24 : vector<1000x128xf32> to vector<1x1000x128xf32>
    tpu.vector_store %arg4[%swap3A_25, %swap3A_26, %swap3A_27], %swap3A_30 {strides = array<i32>} : memref<2x1000x128xf32, #tpu.memory_space<vmem>>, vector<1x1000x128xf32>,
    return
  }
  func.func @transform_0(%arg0: i32) -> (i32, i32, i32) {
    %c0_i32 = arith.constant 0 : i32
    %c0_i32_0 = arith.constant 0 : i32
    %c0_i32_1 = arith.constant 0 : i32
    return %c0_i32, %arg0, %c0_i32_0 : i32, i32, i32
  }
  func.func @transform_1(%arg0: i32) -> (i32, i32) {
    %c0_i32 = arith.constant 0 : i32
    %c0_i32_0 = arith.constant 0 : i32
    %c0_i32_1 = arith.constant 0 : i32
    return %c0_i32, %c0_i32_0 : i32, i32
  }
  func.func @transform_2(%arg0: i32) -> (i32, i32) {
    %c0_i32 = arith.constant 0 : i32
    %c0_i32_0 = arith.constant 0 : i32
    %c0_i32_1 = arith.constant 0 : i32
    return %c0_i32, %c0_i32_0 : i32, i32
  }
  func.func @transform_3(%arg0: i32) -> (i32, i32, i32) {
    %c0_i32 = arith.constant 0 : i32
    %c0_i32_0 = arith.constant 0 : i32
    %c0_i32_1 = arith.constant 0 : i32
    return %c0_i32, %arg0, %c0_i32_0 : i32, i32, i32
  }
}

module attributes {stable_mosaic.version = 14 : i64} {
  func.func @_fin_body(%arg0: i32, %arg1: memref<2x1000x128xf32, #tpu.memory_space<vmem>>, %arg2: memref<1x256xf32, #tpu.memory_space<vmem>>, %arg3: memref<1000x256xf32, #tpu.memory_space<vmem>>) attributes {dimension_semantics = [#tpu.dimension_semantics<arbitrary>], iteration_bounds = array<i64: 10>, scalar_prefetch = 0 : i64, scratch_operands = 0 : i64, tpu.core_type = #tpu.core_type<tc>, window_params = [{transform_indices = @transform_0, window_bounds = array<i64: 2, 1000, 128>}, {pipeline_mode = #tpu.pipeline_mode<synchronous>, transform_indices = @transform_1, window_bounds = array<i64: 1, 256>}, {transform_indices = @transform_2, window_bounds = array<i64: 1000, 256>}]} {
    %get3A = arith.constant 0 : index
    %get3A_0 = arith.constant 0 : index
    %get3A_1 = arith.constant 0 : index
    %get3A_2 = vector.load %arg1[%get3A, %get3A_0, %get3A_1] : memref<2x1000x128xf32, #tpu.memory_space<vmem>>, vector<1x1000x128xf32>
    %get3A_3 = vector.shape_cast %get3A_2 : vector<1x1000x128xf32> to vector<1000x128xf32>
    %get3A_4 = arith.constant 1 : index
    %get3A_5 = arith.constant 0 : index
    %get3A_6 = arith.constant 0 : index
    %get3A_7 = vector.load %arg1[%get3A_4, %get3A_5, %get3A_6] : memref<2x1000x128xf32, #tpu.memory_space<vmem>>, vector<1x1000x128xf32>
    %get3A_8 = vector.shape_cast %get3A_7 : vector<1x1000x128xf32> to vector<1000x128xf32>
    %concatenate3A = tpu.concatenate %get3A_3, %get3A_8 in 1 : vector<1000x128xf32>, vector<1000x128xf32> -> vector<1000x256xf32>
    %get3A_9 = arith.constant 0 : index
    %get3A_10 = arith.constant 0 : index
    %get3A_11 = vector.load %arg2[%get3A_9, %get3A_10] : memref<1x256xf32, #tpu.memory_space<vmem>>, vector<1x256xf32>
    %add3A = vector.broadcast %get3A_11 : vector<1x256xf32> to vector<1000x256xf32>
    %add3A_12 = arith.addf %concatenate3A, %add3A : vector<1000x256xf32>
    %max3A = arith.constant 0.000000e+00 : f32
    %max3A_13 = vector.broadcast %max3A : f32 to vector<1000x256xf32>
    %max3A_14 = arith.maximumf %add3A_12, %max3A_13 : vector<1000x256xf32>
    %swap3A = arith.constant 0 : index
    %swap3A_15 = arith.constant 0 : index
    %swap3A_16 = vector.load %arg3[%swap3A, %swap3A_15] : memref<1000x256xf32, #tpu.memory_space<vmem>>, vector<1000x256xf32>
    tpu.vector_store %arg3[%swap3A, %swap3A_15], %max3A_14 {strides = array<i32>} : memref<1000x256xf32, #tpu.memory_space<vmem>>, vector<1000x256xf32>,
    return
  }
  func.func @transform_0(%arg0: i32) -> (i32, i32, i32) {
    %c0_i32 = arith.constant 0 : i32
    %c0_i32_0 = arith.constant 0 : i32
    %c0_i32_1 = arith.constant 0 : i32
    return %c0_i32, %arg0, %c0_i32_0 : i32, i32, i32
  }
  func.func @transform_1(%arg0: i32) -> (i32, i32) {
    %c0_i32 = arith.constant 0 : i32
    %c0_i32_0 = arith.constant 0 : i32
    %c0_i32_1 = arith.constant 0 : i32
    return %c0_i32, %c0_i32_0 : i32, i32
  }
  func.func @transform_2(%arg0: i32) -> (i32, i32) {
    %c0_i32 = arith.constant 0 : i32
    %c0_i32_0 = arith.constant 0 : i32
    return %arg0, %c0_i32 : i32, i32
  }
}

</mosaic_0001>

<sc_bundles>
// kernel: kernel.10.cloned.1.call-start
scs
__scs_entry_jumppad:
0x0: {  	(pc) =	sbr.rel $0x88, $3  }
0x1: {  	(tag) =	ssettag $0x0;
	lr =	simm.s32 $0x1  }
0x2: {  	[smem:$0x3F9B] =	sst lr;
	_ =	strace $0xD0000000  }
0x3: {  	_ = 	snop  }
0x4: {  	_ = 	snop  }
0x5: {  	_ = 	snop  }
0x6: {  	_ = 	snop  }
0x7: {  	_ = 	snop  }
__scs_overlays_trampoline_lowered:
0x8: {  	[smem:$0x3FAA] =	sst s0  }
0x9: {  	[smem:$0x3FAB] =	sst s1  }
0xa: {  	[smem:$0x3FAC] =	sst s2  }
0xb: {  	[smem:$0x3FAD] =	sst s3  }
0xc: {  	[smem:$0x3FAE] =	sst s4  }
0xd: {  	[smem:$0x3FAF] =	sst s5  }
0xe: {  	[smem:$0x3FB0] =	sst s6  }
0xf: {  	[smem:$0x3FB1] =	sst s7  }
0x10: {  	[smem:$0x3FB2] =	sst s8  }
0x11: {  	[smem:$0x3FB3] =	sst s9;
	s0 =	simm.s32 @!p0 $0x0  }
0x12: {  	s1 =	sld [smem:$0x3F99];
	s0 =	simm.s32 @p0 $0x1  }
0x13: {  	[smem:$0x3FB4] =	sst s0;
	s0 =	simm.s32 @!p1 $0x0  }
0x14: {  	s2 =	sld [smem:$0x3F98];
	s0 =	simm.s32 @p1 $0x1  }
0x15: {  	[smem:$0x3FB5] =	sst s0;
	s0 =	simm.s32 @!p2 $0x0  }
0x16: {  	s3 =	sld [smem:$0x3FDB];
	s0 =	simm.s32 @p2 $0x1  }
0x17: {  	s4 =	simm.s32 $0x1BF5;
	[smem:$0x3FB7] =	sst s0  }
0x18: {  	s0 =	sld [smem:$0x3F9A];
	_ =	swait.ge [sflag:s4], $0x0  }
0x19: {  	s7 =	sld [smem:$0x3F9B]  }
0x1a: {  	s8 =	sadd.s32 $0xFFFFE003, lr  }
0x1b: {  	s9 =	sadd.s32 $0xFFFFFEF7, lr;
	s5 =	simm.s32 $0xFFFFFFFF;
	p2 =	slt.u32 s8, $0xFFFFF086  }
0x1c: {  	p1 =	slt.u32 s9, $0xF7A;
	s5 =	simm.s32 @!p2 $0x0  }
0x1d: {  	s5 =	simm.s32 @p1 $0x1;
	p0 =	seq.s32 s7, s2  }
0x1e: {  	s7 =	smul.u32 @!p0 $0xF7A, s2;
	p2 =	seq.s32 @!p0 s5, $0x0  }
0x1f: {  	s9 =	smul.u32 $0xF7A, s1;
	s8 =	simm.s32 @!p0 $0x1BF5;
	p2 =	por !p2, p0  }
0x20: {  	[sflag:s8] =	ssyncset.s32 @!p0 $0xFFFFF086;
	s6 =	sadd.s32 @!p0 s3, s7;
	s7 =	simm.s32 @!p0 $0x108  }
0x21: {  	s3 =	sadd.s32 s3, s9;
	s6 =	sadd.s32 @!p0 $0x88, s6;
	s7 =	simm.s32 @p2 $0x1082  }
0x22: {  	[simem:s7], [sflag:s8] =	dma.local @!p0 [hbm:s6], $0xF7A  }
0x23: {  	s9 =	sor.u32 $0xD0000000, s2;
	s6 =	simm.s32 $0x108;
	_ =	swait.ge @!p0 [sflag:s8], $0x0  }
0x24: {  	s3 =	sadd.s32 $0x88, s3;
	s6 =	simm.s32 @!p1 $0x1082;
	[sflag:s4] =	ssyncset.s32 $0xFFFFF086  }
0x25: {  	[simem:s6], [sflag:s4] =	dma.local [hbm:s3], $0xF7A  }
0x26: {  	[smem:$0x3F9B] =	sst s1;
	(tag) =	ssettag s2;
	_ =	strace s9  }
0x27: {  	s1 =	sld [smem:$0x3FAB]  }
0x28: {  	s2 =	sld [smem:$0x3FAC]  }
0x29: {  	s4 =	sld [smem:$0x3FAE]  }
0x2a: {  	p0 =	seq.s32 s5, $0x0;
	s5 =	sld [smem:$0x3FAF]  }
0x2b: {  	s6 =	sld [smem:$0x3FB0]  }
0x2c: {  	s7 =	sld [smem:$0x3FB1]  }
0x2d: {  	s3 =	simm.s32 $0x108;
	s8 =	sld [smem:$0x3FB2]  }
0x2e: {  	s3 =	simm.s32 @!p0 $0x1082;
	s9 =	sld [smem:$0x3FB3]  }
0x2f: {  	lr =	sadd.s32 s0, s3;
	s0 =	sld [smem:$0x3FAA]  }
0x30: {  	s3 =	sld [smem:$0x3FAD]  }
0x31: {  	[smem:$0x3FB6] =	sst s10  }
0x32: {  	s10 =	sld [smem:$0x3FB4];
	_ =	sdelay $0x3  }
0x33: {  	p0 =	seq.s32 s10, $0x1;
	s10 =	sld [smem:$0x3FB6];
	_ =	sdelay $0x3  }
0x34: {  	[smem:$0x3FB6] =	sst s10  }
0x35: {  	s10 =	sld [smem:$0x3FB5];
	_ =	sdelay $0x3  }
0x36: {  	p1 =	seq.s32 s10, $0x1;
	s10 =	sld [smem:$0x3FB6];
	_ =	sdelay $0x3  }
0x37: {  	[smem:$0x3FB6] =	sst s10  }
0x38: {  	s10 =	sld [smem:$0x3FB7]  }
0x39: {  	_ = 	snop;
	(pc) =	sbr.ind lr, $3  }
0x3a: {  	_ = 	snop  }
0x3b: {  	_ = 	snop  }
0x3c: {  	p2 =	seq.s32 s10, $0x1;
	s10 =	sld [smem:$0x3FB6]  }
0x3d: {  	_ =	shalt  }
0x3e: {  	_ =	shalt  }
0x3f: {  	_ =	shalt  }
0x40: {  	_ =	shalt  }
0x41: {  	_ =	shalt  }
0x42: {  	_ =	shalt  }
0x43: {  	_ =	shalt  }
0x44: {  	_ =	shalt  }
0x45: {  	_ =	shalt  }
0x46: {  	_ =	shalt  }
0x47: {  	_ =	shalt  }
0x48: {  	_ =	shalt  }
0x49: {  	_ =	shalt  }
0x4a: {  	_ =	shalt  }
0x4b: {  	_ =	shalt  }
0x4c: {  	_ =	shalt  }
0x4d: {  	_ =	shalt  }
0x4e: {  	_ =	shalt  }
0x4f: {  	_ =	shalt  }
0x50: {  	_ =	shalt  }
0x51: {  	_ =	shalt  }
0x52: {  	_ =	shalt  }
0x53: {  	_ =	shalt  }
0x54: {  	_ =	shalt  }
0x55: {  	_ =	shalt  }
0x56: {  	_ =	shalt  }
0x57: {  	_ =	shalt  }
0x58: {  	_ =	shalt  }
0x59: {  	_ =	shalt  }
0x5a: {  	_ =	shalt  }
0x5b: {  	_ =	shalt  }
0x5c: {  	_ =	shalt  }
0x5d: {  	_ =	shalt  }
0x5e: {  	_ =	shalt  }
0x5f: {  	_ =	shalt  }
0x60: {  	_ =	shalt  }
0x61: {  	_ =	shalt  }
0x62: {  	_ =	shalt  }
0x63: {  	_ =	shalt  }
0x64: {  	_ =	shalt  }
0x65: {  	_ =	shalt  }
0x66: {  	_ =	shalt  }
0x67: {  	_ =	shalt  }
0x68: {  	_ =	shalt  }
0x69: {  	_ =	shalt  }
0x6a: {  	_ =	shalt  }
0x6b: {  	_ =	shalt  }
0x6c: {  	_ =	shalt  }
0x6d: {  	_ =	shalt  }
0x6e: {  	_ =	shalt  }
0x6f: {  	_ =	shalt  }
0x70: {  	_ =	shalt  }
0x71: {  	_ =	shalt  }
0x72: {  	_ =	shalt  }
0x73: {  	_ =	shalt  }
0x74: {  	_ =	shalt  }
0x75: {  	_ =	shalt  }
0x76: {  	_ =	shalt  }
0x77: {  	_ =	shalt  }
0x78: {  	_ =	shalt  }
0x79: {  	_ =	shalt  }
0x7a: {  	_ =	shalt  }
0x7b: {  	_ =	shalt  }
0x7c: {  	_ =	shalt  }
0x7d: {  	_ =	shalt  }
0x7e: {  	_ =	shalt  }
0x7f: {  	_ =	shalt  }
0x80: {  	_ =	shalt  }
0x81: {  	_ =	shalt  }
0x82: {  	_ =	shalt  }
0x83: {  	_ =	shalt  }
0x84: {  	_ =	shalt  }
0x85: {  	_ =	shalt  }
0x86: {  	_ =	shalt  }
0x87: {  	_ =	shalt  }
.Lfunc_end0:
.L_simem_size_0:
called_computation.1_lowered:
.L_overlay_start_0:
0x88: {  	s2 =	sld [smem:$0x3FD9]  }
0x89: {  	s3 =	sld [smem:$0x3FFE];
	_ =	sdelay $0x1  }
0x8a: {  	s1 =	srdreg.scid  }
0x8b: {  	s0 =	sand.u32 $0x1, s1  }
0x8c: {  	s14 =	sshll.u32 s0, $0xA;
	s2 =	sadd.s32 s3, s2  }
0x8d: {  	s2 =	sadd.s32 s2, s14  }
0x8e: {  	[smem:$0x3FC2] =	sst s2  }
0x8f: {  	_ = 	snop  }
0x90: {  	s2 =	sld [smem:$0x3FD0];
	_ =	sdelay $0x2  }
0x91: {  	s15 =	simm.s32 $0xA;
	s4 =	simm.s32 $0x10  }
0x92: {  	[smem:s4], [sflag:s15] =	dma.local [hbm:s2], $0x1  }
0x93: {  	_ =	swait.eq [sflag:s15], $0x1  }
0x94: {  	[sflag:s15] =	ssyncset.done $0x0  }
0x95: {  	[sflag:s15] =	ssyncadd.s32 $0xFFFFFFFF  }
0x96: {  	s16 =	sld [smem:$0x10];
	(tm) =	ssettm $0x1  }
0x97: {  	s17 =	sld [smem:$0x3FFB];
	_ =	sdelay $0x3  }
0x98: {  	_ =	strace s17  }
0x99: {  	s3 =	sld [smem:$0x3FFC];
	_ =	sdelay $0x3  }
0x9a: {  	_ =	strace s3  }
0x9b: {  	s3 =	sld [smem:$0x3FFD];
	_ =	sdelay $0x3  }
0x9c: {  	_ =	strace s3  }
0x9d: {  	_ =	strace $0x8FFFFFFF  }
0x9e: {  	s18 =	sld [smem:$0x3FDB];
	_ =	sdelay $0x1  }
0x9f: {  	s19 =	simm.s32 $_scs_section_size  }
0xa0: {  	s5 =	simm.s32 $_size__tile_overlayer_lowered;
	s6 =	simm.s32 $_tile_overlayer_lowered  }
0xa1: {  	s22 =	simm.s32 $0x1BFF;
	s21 =	sshll.u32 s6, $0x1;
	s3 =	sadd.s32 s19, s18  }
0xa2: {  	s7 =	simm.s32 $0x0;
	s20 =	sshll.u32 s5, $0x1;
	s5 =	sadd.s32 s21, s3  }
0xa3: {  	[timem:s7], [sflag:s22] =	dma.local [hbm:s5], s20  }
0xa4: {  	_ =	swait.ge [sflag:s22], s20  }
0xa5: {  	s4 =	ssub.s32 $0x0, s20;
	[sflag:s22] =	ssyncset.done $0x0  }
0xa6: {  	[sflag:s22] =	ssyncadd.s32 s4;
	_ =	sdelay $0x1  }
0xa7: {  	s23 =	simm.s32 $0x1B8B  }
0xa8: {  	_ =	swait.ge [sflag:s23], $0x1  }
0xa9: {  	[sflag:s23] =	ssyncset.done $0x0  }
0xaa: {  	s25 =	simm.s32 $0x1B8E;
	s24 =	sld [smem:$0x3FFE];
	[sflag:s23] =	ssyncadd.s32 $0xFFFFFFFF  }
0xab: {  	s26 =	simm.s32 $execute0_lowered;
	[smem:$0x3FD2] =	sst s25  }
0xac: {  	s5 =	sshll.u32 s26, $0x1;
	_ =	strace $0x80000049;
	[dreg:$0x1] =	wrdreg $0xFFFFFFFF  }
0xad: {  	s28 =	simm.s32 $_size_execute0_lowered;
	s3 =	sadd.s32 s3, s5;
	[dreg:$0x0] =	wrdreg $0x0  }
0xae: {  	s5 =	sshll.u32 s28, $0x1;
	[dreg:$0x2] =	wrdreg s3  }
0xaf: {  	[dreg:$0x3] =	wrdreg s5  }
0xb0: {  	[dreg:$0x4] =	wrdreg $0xC0  }
0xb1: {  	_ =	task [dreg:s7], $0x5FFFF  }
0xb2: {  	[dreg:$0x1] =	wrdreg $0xFFFFFFFF  }
0xb3: {  	[dreg:$0x0] =	wrdreg $0x60  }
0xb4: {  	[dreg:$0x2] =	wrdreg s24  }
0xb5: {  	[dreg:$0x3] =	wrdreg s16  }
0xb6: {  	[dreg:$0x4] =	wrdreg $0x84000  }
0xb7: {  	[dreg:$0x5] =	wrdreg $0x9  }
0xb8: {  	_ =	task.clear_ibuf [dreg:s7], $0x6FFFF;
	_ =	strace $0x90000049  }
0xb9: {  	s29 =	simm.s32 $0x9;
	_ =	strace $0x8000004B  }
0xba: {  	_ =	swait.ge [sflag:s29], $0x1  }
0xbb: {  	[sflag:s29] =	ssyncadd.s32 $0xFFFFFFFF  }
0xbc: {  	_ =	strace $0x9000004B  }
0xbd: {  	_ =	sfence  }
0xbe: {  	s30 =	sld [smem:$0x0];
	_ =	sdelay $0x2  }
0xbf: {  	s31 =	sshll.u32 s1, $0xD;
	s1 =	sshrl.u32 s1, $0x2  }
0xc0: {  	s3 =	sand.u32 $0x4000, s31;
	s1 =	sadd.s32 s1, s30  }
0xc1: {  	s0 =	sor.u32 s3, s0;
	s1 =	sshll.u32 s1, $0x11  }
0xc2: {  	s0 =	sor.u32 s1, s0  }
0xc3: {  	s0 =	sadd.s32 $0x8F2B, s0  }
0xc4: {  	[sflag:s0] =	ssyncadd.remote.s32 $0x1  }
0xc5: {  	_ =	sfence.sel $0xFFFF  }
0xc6: {  	[dreg:$0x0] =	wrdreg $0xFFFFFFFF;
	(pc) =	sbr.abs _section_cstart, $3  }
0xc7: {  	[dreg:$0x1] =	wrdreg $0xFFFFFFFF  }
0xc8: {  	_ =	task.clear_ibuf [dreg:s7], $0x2FFFF;
	_ =	strace $0x9FFFFFFF  }
0xc9: {  	(tm) =	ssettm $0x7FFFFFFF  }
tec
execute0_lowered:
.L_overlay_start_1:
0x0: {  	(tag) =	ssettag $0x1  }
0x1: {  	s0 =	rddreg [dreg:$0x0]  }
0x2: {  	s1 =	rddreg [dreg:$0x1]  }
0x3: {  	s2 =	rddreg [dreg:$0x2];
	s3 =	simm.s32 $0x0  }
0x4: {  	s12 =	stileid.u32;
	s4 =	srdreg.scid;
	s28 =	simm.s32 $0x80  }
0x5: {  	s29 =	simm.s32 $0x400;
	s30 =	simm.s32 $0x5;
	s5 =	smul.u32 $0xA00, s12  }
0x6: {  	s31 =	simm.s32 $0x2;
	[smem:$0x7FF] =	sst s3;
	s14 =	smul.u32 $0x50000, s12  }
0x7: {  	s4 =	sand.u32 $0x1, s4;
	s10 =	sadd.s32 $0xB200, s0;
	s20 =	smul.u32 $0x2800, s12  }
0x8: {  	s16 =	sshll.u32 s12, $0x6;
	_ =	strace $0x8000004A;
	s6 =	smul.u32 $0x28000, s4  }
0x9: {  	s7 =	ssub.s32 $0x2, s4;
	[dreg:$0x4] =	wrdreg s10;
	s10 =	smul.u32 $0x280, s12  }
0xa: {  	s4 =	smul.u32 $0x27100, s4;
	s12 =	simm.s32 $0x4;
	s11 =	sshrl.u32 s7, $0x1  }
0xb: {  	s8 =	sadd.s32 s5, s0;
	s0 =	sadd.s32 s6, s0;
	s13 =	ssub.s32 s7, s11  }
0xc: {  	s5 =	sadd.s32 $0x1200, s8;
	s9 =	sadd.s32 $0x1220, s8;
	s15 =	sadd.s32 $0x1240, s8  }
0xd: {  	s7 =	sshrl.u32 s14, $0x2;
	s8 =	sadd.s32 $0x1260, s8;
	s11 =	sadd.s32 s1, s4  }
0xe: {  	s17 =	sadd.s32 $0x80, s10;
	s21 =	sadd.s32 $0x100, s10;
	[dreg:$0x5] =	wrdreg s9  }
0xf: {  	s23 =	sadd.s32 $0x180, s10;
	s10 =	sadd.s32 $0x200, s10;
	[dreg:$0x6] =	wrdreg s15  }
0x10: {  	s14 =	simm.s32 $0x0;
	[dreg:$0x7] =	wrdreg s8;
	s9 =	sadd.s32 s7, s2  }
0x11: {  	s7 =	sor.u32 $0x1C09, s16;
	s0 =	sadd.s32 $0xDA00, s0;
	s18 =	smax.u32 s13, $0x1  }
0x12: {  	s19 =	sshll.u32 s17, $0x7;
	s1 =	sshll.u32 s17, $0x4;
	s22 =	sshll.u32 s21, $0x7  }
0x13: {  	s24 =	sshll.u32 s23, $0x7;
	s25 =	sshll.u32 s10, $0x7;
	s8 =	sshll.u32 s23, $0x4  }
0x14: {  	s26 =	sshll.u32 s10, $0x4;
	s17 =	simm.s32 $0x100;
	[dreg:$0x8] =	wrdreg s7  }
0x15: {  	s10 =	simm.s32 $0x8;
	s13 =	simm.s32 $0x380;
	[dreg:$0x9] =	wrdreg s18  }
0x16: {  	s4 =	sadd.s32 s19, s2;
	s7 =	sadd.s32 s22, s2;
	s18 =	simm.s32 $0x200  }
0x17: {  	s19 =	simm.s32 $0x300;
	s6 =	sadd.s32 s20, s0;
	[dreg:$0xa] =	wrdreg s4  }
0x18: {  	s1 =	sadd.s32 s1, s0;
	s23 =	sadd.s32 s8, s0;
	[dreg:$0xb] =	wrdreg s7  }
0x19: {  	s8 =	simm.s32 $0x280;
	s4 =	sshll.u32 s21, $0x4;
	[dreg:$0xe] =	wrdreg s6  }
.Ltmp0:
0x1a: {  	s7 =	sadd.s32 s24, s2;
	[dreg:$0xf] =	wrdreg s1;
	(pc) =	sbr.rel .LBB2_1-.Ltmp0, $4  }
0x1b: {  	s24 =	sadd.s32 s26, s0;
	s26 =	simm.s32 $0x1;
	s1 =	simm.s32 $0x6  }
0x1c: {  	s6 =	simm.s32 $0x7;
	[dreg:$0xc] =	wrdreg s7;
	s7 =	sadd.s32 s25, s2  }
0x1d: {  	s22 =	sadd.s32 s4, s0;
	s25 =	simm.s32 $0x9;
	s0 =	simm.s32 $0x4400  }
0x1e: {  	s4 =	simm.s32 $0x180;
	[dreg:$0xd] =	wrdreg s7;
	s7 =	simm.s32 $0x3  }
.LBB2_4:
0x1f: {  	_ =	swait.ge [sflag:s10], $0x4000  }
0x20: {  	[sflag:s10] =	ssyncset.done $0x0  }
0x21: {  	[sflag:s10] =	ssyncadd.s32 $0xFFFFC000  }
0x22: {  	[bflag:$0x0] =	sbarrier.arrive $0xFFFF  }
0x23: {  	[tilespmem:s29], [sflag:$0x9] =	stream.linear.gather [spmem:s9], $0x4000, $0x38;
	[tilespmem:$0x1C400] =	vst v63  }
0x24: {  	_ =	swait.ge [sflag:s25], $0x4000  }
0x25: {  	[sflag:s25] =	ssyncset.done $0x0  }
0x26: {  	s15 =	rddreg [dreg:$0xe];
	[sflag:s25] =	ssyncadd.s32 $0xFFFFC000  }
0x27: {  	[hbm4b:s15+s3] =	stream.linear.scatter [tilespmem:s29], [sflag:$0x9], $0x4000, $0x38;
	[tilespmem:$0x1C400] =	vst v63  }
0x28: {  	_ =	swait.ge [sflag:s25], $0x4000  }
0x29: {  	[sflag:s25] =	ssyncset.done $0x0  }
0x2a: {  	s16 =	rddreg [dreg:$0xa];
	[sflag:s25] =	ssyncadd.s32 $0xFFFFC000  }
0x2b: {  	[tilespmem:s29], [sflag:$0x9] =	stream.linear.gather [spmem:s16], $0x4000, $0x38;
	[tilespmem:$0x1C400] =	vst v63  }
0x2c: {  	_ =	swait.ge [sflag:s25], $0x4000  }
0x2d: {  	[sflag:s25] =	ssyncset.done $0x0  }
0x2e: {  	s20 =	rddreg [dreg:$0xf];
	[sflag:s25] =	ssyncadd.s32 $0xFFFFC000  }
0x2f: {  	[hbm4b:s20+s3] =	stream.linear.scatter [tilespmem:s29], [sflag:$0x9], $0x4000, $0x38;
	[tilespmem:$0x1C400] =	vst v63  }
0x30: {  	_ =	swait.ge [sflag:s25], $0x4000  }
0x31: {  	[sflag:s25] =	ssyncset.done $0x0  }
0x32: {  	s21 =	rddreg [dreg:$0xb];
	[sflag:s25] =	ssyncadd.s32 $0xFFFFC000  }
0x33: {  	[tilespmem:s29], [sflag:$0x9] =	stream.linear.gather [spmem:s21], $0x4000, $0x38;
	[tilespmem:$0x1C400] =	vst v63  }
0x34: {  	_ =	swait.ge [sflag:s25], $0x4000  }
0x35: {  	[sflag:s25] =	ssyncset.done $0x0  }
0x36: {  	[sflag:s25] =	ssyncadd.s32 $0xFFFFC000  }
0x37: {  	[hbm4b:s22+s3] =	stream.linear.scatter [tilespmem:s29], [sflag:$0x9], $0x4000, $0x38;
	[tilespmem:$0x1C400] =	vst v63  }
0x38: {  	_ =	swait.ge [sflag:s25], $0x4000  }
0x39: {  	[sflag:s25] =	ssyncset.done $0x0  }
0x3a: {  	s16 =	rddreg [dreg:$0xc];
	[sflag:s25] =	ssyncadd.s32 $0xFFFFC000  }
0x3b: {  	[tilespmem:s29], [sflag:$0x9] =	stream.linear.gather [spmem:s16], $0x4000, $0x38;
	[tilespmem:$0x1C400] =	vst v63  }
0x3c: {  	_ =	swait.ge [sflag:s25], $0x4000  }
0x3d: {  	[sflag:s25] =	ssyncset.done $0x0  }
0x3e: {  	[sflag:s25] =	ssyncadd.s32 $0xFFFFC000  }
0x3f: {  	[hbm4b:s23+s3] =	stream.linear.scatter [tilespmem:s29], [sflag:$0x9], $0x4000, $0x38;
	[tilespmem:$0x1C400] =	vst v63  }
0x40: {  	_ =	swait.ge [sflag:s25], $0x4000  }
0x41: {  	[sflag:s25] =	ssyncset.done $0x0  }
0x42: {  	s20 =	rddreg [dreg:$0xd];
	[sflag:s25] =	ssyncadd.s32 $0xFFFFC000  }
0x43: {  	[tilespmem:s29], [sflag:$0x9] =	stream.linear.gather [spmem:s20], $0x4000, $0x38;
	[tilespmem:$0x1C400] =	vst v63  }
0x44: {  	_ =	swait.ge [sflag:s25], $0x4000  }
0x45: {  	[sflag:s25] =	ssyncset.done $0x0  }
0x46: {  	[sflag:s25] =	ssyncadd.s32 $0xFFFFC000  }
0x47: {  	[hbm4b:s24+s3] =	stream.linear.scatter [tilespmem:s29], [sflag:$0x9], $0x4000, $0x38;
	[tilespmem:$0x1C400] =	vst v63  }
0x48: {  	_ =	swait.ge [sflag:s25], $0x4000  }
0x49: {  	s14 =	sadd.s32 $0x1, s14;
	s21 =	rddreg [dreg:$0x9]  }
0x4a: {  	p0 =	sne.s32 s14, s21  }
.Ltmp1:
0x4b: {  	_ = 	snop;
	(pc) =	sbr.rel @!p0 .LBB2_5-.Ltmp1, $3  }
0x4c: {  	_ =	sdelay $0x1  }
0x4d: {  	[sflag:s25] =	ssyncset.done $0x0  }
0x4e: {  	[sflag:s25] =	ssyncadd.s32 $0xFFFFC000  }
.LBB2_1:
0x4f: {  	[tilespmem:s3], [sflag:$0x1] =	stream.linear.gather [hbm4b:s5+s3], $0x100, $0x38;
	[tilespmem:$0x1C400] =	vst v63  }
0x50: {  	s15 =	rddreg [dreg:$0x5]  }
0x51: {  	s16 =	rddreg [dreg:$0x6]  }
0x52: {  	[tilespmem:s17], [sflag:$0x2] =	stream.linear.gather [hbm4b:s15+s3], $0x100, $0x38;
	[tilespmem:$0x1C400] =	vst v63  }
0x53: {  	s20 =	rddreg [dreg:$0x7]  }
0x54: {  	[tilespmem:s18], [sflag:$0x3] =	stream.linear.gather [hbm4b:s16+s3], $0x100, $0x38;
	[tilespmem:$0x1C400] =	vst v63  }
0x55: {  	s16 =	rddreg [dreg:$0x4]  }
0x56: {  	[tilespmem:s19], [sflag:$0x4] =	stream.linear.gather [hbm4b:s20+s3], $0x100, $0x38;
	[tilespmem:$0x1C400] =	vst v63  }
0x57: {  	s21 =	sshrl.u32 s9, $0x3;
	s20 =	rddreg [dreg:$0x8]  }
0x58: {  	[spmem:s21], [sflag:s20] =	dma.local [hbm:s16], $0x2800  }
0x59: {  	_ =	swait.ge [sflag:s25], $0x2800  }
0x5a: {  	[sflag:s25] =	ssyncset.done $0x0  }
0x5b: {  	[sflag:s25] =	ssyncadd.s32 $0xFFFFD800  }
0x5c: {  	[bflag:$0x0] =	sbarrier.arrive $0xFFFF  }
0x5d: {  	_ =	swait.ge [sflag:s26], $0x100  }
0x5e: {  	[sflag:s26] =	ssyncset.done $0x0  }
0x5f: {  	s15 =	simm.s32 $0x0;
	[sflag:s26] =	ssyncadd.s32 $0xFFFFFF00  }
0x60: {  	[tilespmem:s29], [sflag:$0x5] =	stream.indirect.gather [hbm4b:s11+s28], $0x80, s3, s28, $0xb8;
	[tilespmem:$0x1C400] =	vst v63  }
.LBB2_2:
0x61: {  	_ =	swait.ge [sflag:s30], $0x4000  }
0x62: {  	p0 =	seq.s32 s15, $0x0;
	[sflag:s30] =	ssyncset.done $0x0  }
0x63: {  	s16 =	simm.s32 @!p0 $0x8;
	[sflag:s30] =	ssyncadd.s32 $0xFFFFC000  }
0x64: {  	[spmem:s2] =	stream.indirect.scatter.add.f32 [tilespmem:s29], [sflag:$0x7], $0x80, s28, s28, $0xb8;
	[tilespmem:$0x1C400] =	vst v63  }
0x65: {  	_ =	swait.ge @!p0 [sflag:s16], $0x4000  }
0x66: {  	[sflag:s16] =	ssyncset.done @!p0 $0x0  }
0x67: {  	[sflag:s16] =	ssyncadd.s32 @!p0 $0xFFFFC000;
	s16 =	sadd.s32 @!p0 s15, s5  }
0x68: {  	s20 =	simm.s32 @!p0 $0x0;
	s21 =	simm.s32 @!p0 $0x300;
	s16 =	sadd.s32 @!p0 $0x60, s16  }
0x69: {  	[tilespmem:s21], [sflag:$0x4] =	stream.linear.gather @!p0 [hbm4b:s16+s20], $0x100, $0x38;
	[tilespmem:$0x1C400] =	vst v63  }
0x6a: {  	_ =	swait.ge [sflag:s31], $0x100  }
0x6b: {  	[sflag:s31] =	ssyncset.done $0x0  }
0x6c: {  	[sflag:s31] =	ssyncadd.s32 $0xFFFFFF00  }
0x6d: {  	[tilespmem:s0], [sflag:$0x6] =	stream.indirect.gather [hbm4b:s11+s28], $0x80, s17, s28, $0xb8;
	[tilespmem:$0x1C400] =	vst v63  }
0x6e: {  	_ =	swait.ge [sflag:s1], $0x4000  }
0x6f: {  	[sflag:s1] =	ssyncset.done $0x0  }
0x70: {  	[sflag:s1] =	ssyncadd.s32 $0xFFFFC000  }
0x71: {  	[spmem:s2] =	stream.indirect.scatter.add.f32 [tilespmem:s0], [sflag:$0x8], $0x80, s4, s28, $0xb8;
	[tilespmem:$0x1C400] =	vst v63  }
0x72: {  	p0 =	seq.s32 s15, $0x980;
	_ =	swait.ge [sflag:s6], $0x4000  }
0x73: {  	s16 =	sadd.s32 @!p0 s15, s5;
	[sflag:s6] =	ssyncset.done $0x0  }
0x74: {  	s21 =	simm.s32 @!p0 $0x0;
	s20 =	sadd.s32 @!p0 $0x80, s16;
	[sflag:s6] =	ssyncadd.s32 $0xFFFFC000  }
0x75: {  	[tilespmem:s21], [sflag:$0x1] =	stream.linear.gather @!p0 [hbm4b:s20+s21], $0x100, $0x38;
	[tilespmem:$0x1C400] =	vst v63  }
0x76: {  	_ =	swait.ge [sflag:s7], $0x100  }
0x77: {  	[sflag:s7] =	ssyncset.done $0x0  }
0x78: {  	[sflag:s7] =	ssyncadd.s32 $0xFFFFFF00  }
0x79: {  	[tilespmem:s29], [sflag:$0x5] =	stream.indirect.gather [hbm4b:s11+s28], $0x80, s18, s28, $0xb8;
	[tilespmem:$0x1C400] =	vst v63  }
0x7a: {  	_ =	swait.ge [sflag:s30], $0x4000  }
0x7b: {  	[sflag:s30] =	ssyncset.done $0x0  }
0x7c: {  	[sflag:s30] =	ssyncadd.s32 $0xFFFFC000  }
0x7d: {  	[spmem:s2] =	stream.indirect.scatter.add.f32 [tilespmem:s29], [sflag:$0x7], $0x80, s8, s28, $0xb8;
	[tilespmem:$0x1C400] =	vst v63  }
0x7e: {  	_ =	swait.ge [sflag:s10], $0x4000  }
0x7f: {  	[sflag:s10] =	ssyncset.done $0x0  }
0x80: {  	s16 =	sadd.s32 @!p0 $0xA0, s16;
	s20 =	simm.s32 @!p0 $0x100;
	[sflag:s10] =	ssyncadd.s32 $0xFFFFC000  }
0x81: {  	[tilespmem:s20], [sflag:$0x2] =	stream.linear.gather @!p0 [hbm4b:s16+s21], $0x100, $0x38;
	[tilespmem:$0x1C400] =	vst v63  }
0x82: {  	_ =	swait.ge [sflag:s12], $0x100  }
0x83: {  	[sflag:s12] =	ssyncset.done $0x0  }
0x84: {  	[sflag:s12] =	ssyncadd.s32 $0xFFFFFF00  }
0x85: {  	[tilespmem:s0], [sflag:$0x6] =	stream.indirect.gather [hbm4b:s11+s28], $0x80, s19, s28, $0xb8;
	[tilespmem:$0x1C400] =	vst v63  }
0x86: {  	_ =	swait.ge [sflag:s1], $0x4000  }
0x87: {  	[sflag:s1] =	ssyncset.done $0x0  }
.Ltmp2:
0x88: {  	[sflag:s1] =	ssyncadd.s32 $0xFFFFC000;
	(pc) =	sbr.rel @p0 .LBB2_4-.Ltmp2, $4  }
0x89: {  	[spmem:s2] =	stream.indirect.scatter.add.f32 [tilespmem:s0], [sflag:$0x8], $0x80, s13, s28, $0xb8;
	[tilespmem:$0x1C400] =	vst v63  }
0x8a: {  	_ =	swait.ge [sflag:s6], $0x4000  }
0x8b: {  	[sflag:s6] =	ssyncset.done $0x0  }
0x8c: {  	[sflag:s6] =	ssyncadd.s32 $0xFFFFC000  }
0x8d: {  	s16 =	sadd.s32 s15, s5  }
0x8e: {  	s16 =	sadd.s32 $0xC0, s16  }
0x8f: {  	[tilespmem:s18], [sflag:$0x3] =	stream.linear.gather [hbm4b:s16+s3], $0x100, $0x38;
	[tilespmem:$0x1C400] =	vst v63  }
.Ltmp3:
0x90: {  	_ = 	snop;
	(pc) =	sbr.rel .LBB2_2-.Ltmp3, $4  }
0x91: {  	_ =	swait.ge [sflag:s26], $0x100  }
0x92: {  	[sflag:s26] =	ssyncset.done $0x0  }
0x93: {  	s15 =	sadd.s32 $0x80, s15;
	[sflag:s26] =	ssyncadd.s32 $0xFFFFFF00  }
0x94: {  	[tilespmem:s29], [sflag:$0x5] =	stream.indirect.gather [hbm4b:s11+s28], $0x80, s3, s28, $0xb8;
	[tilespmem:$0x1C400] =	vst v63  }
.LBB2_5:
0x95: {  	_ =	sfence.sel $0x180000  }
0x96: {  	[bflag:$0x0] =	sbarrier.arrive $0xFFFF  }
0x97: {  	_ =	strace $0x9000004A  }
0x98: {  	s0 =	stileid.u32;
	[bflag:$0x2] =	sbarrier.arrive $0xFFFF  }
0x99: {  	p0 =	sne.s32 s0, $0x0;
	s0 =	rddreg [dreg:$0x3]  }
0x9a: {  	s0 =	sadd.s32 @!p0 $0x100000, s0  }
0x9b: {  	[sflag:s0] =	ssyncadd.tile.s32 @!p0 $0x1;
	_ =	shalt  }
.Lfunc_end2:
_tile_overlayer_lowered:
.L_overlay_start_2:
0x9c: {  	(tag) =	ssettag $0x2  }
0x9d: {  	s0 =	rddreg [dreg:$0x0];
	s2 =	stileid.u32  }
0x9e: {  	s1 =	rddreg [dreg:$0x1];
	p0 =	sne.s32 s2, $0x0  }
0x9f: {  	s3 =	rddreg [dreg:$0x2];
	[bflag:$0x3] =	sbarrier.arrive $0xFFFF;
	s2 =	simm.s32 @!p0 $0x1C09  }
0xa0: {  	[timem:s3], [sflag:s2] =	dma.local @!p0 [hbm:s0], s1  }
0xa1: {  	s0 =	simm.s32 @!p0 $0x9  }
0xa2: {  	_ =	swait.ge @!p0 [sflag:s0], s1  }
0xa3: {  	s1 =	ssub.s32 @!p0 $0x0, s1;
	[sflag:s0] =	ssyncset.done @!p0 $0x0  }
0xa4: {  	[sflag:s0] =	ssyncadd.s32 @!p0 s1  }
0xa5: {  	[bflag:$0x3] =	sbarrier.arrive $0xFFFF  }
0xa6: {  	_ =	shalt  }

// kernel: kernel.7.cloned.1.call-start
scs
__scs_entry_jumppad:
0x0: {  	(pc) =	sbr.rel $0x88, $3  }
0x1: {  	(tag) =	ssettag $0x0;
	lr =	simm.s32 $0x1  }
0x2: {  	[smem:$0x3F9B] =	sst lr;
	_ =	strace $0xD0000000  }
0x3: {  	_ = 	snop  }
0x4: {  	_ = 	snop  }
0x5: {  	_ = 	snop  }
0x6: {  	_ = 	snop  }
0x7: {  	_ = 	snop  }
__scs_overlays_trampoline_lowered:
0x8: {  	[smem:$0x3FAA] =	sst s0  }
0x9: {  	[smem:$0x3FAB] =	sst s1  }
0xa: {  	[smem:$0x3FAC] =	sst s2  }
0xb: {  	[smem:$0x3FAD] =	sst s3  }
0xc: {  	[smem:$0x3FAE] =	sst s4  }
0xd: {  	[smem:$0x3FAF] =	sst s5  }
0xe: {  	[smem:$0x3FB0] =	sst s6  }
0xf: {  	[smem:$0x3FB1] =	sst s7  }
0x10: {  	[smem:$0x3FB2] =	sst s8  }
0x11: {  	[smem:$0x3FB3] =	sst s9;
	s0 =	simm.s32 @!p0 $0x0  }
0x12: {  	s1 =	sld [smem:$0x3F99];
	s0 =	simm.s32 @p0 $0x1  }
0x13: {  	[smem:$0x3FB4] =	sst s0;
	s0 =	simm.s32 @!p1 $0x0  }
0x14: {  	s2 =	sld [smem:$0x3F98];
	s0 =	simm.s32 @p1 $0x1  }
0x15: {  	[smem:$0x3FB5] =	sst s0;
	s0 =	simm.s32 @!p2 $0x0  }
0x16: {  	s3 =	sld [smem:$0x3FDB];
	s0 =	simm.s32 @p2 $0x1  }
0x17: {  	s4 =	simm.s32 $0x1BF5;
	[smem:$0x3FB7] =	sst s0  }
0x18: {  	s0 =	sld [smem:$0x3F9A];
	_ =	swait.ge [sflag:s4], $0x0  }
0x19: {  	s7 =	sld [smem:$0x3F9B]  }
0x1a: {  	s8 =	sadd.s32 $0xFFFFE003, lr  }
0x1b: {  	s9 =	sadd.s32 $0xFFFFFEF7, lr;
	s5 =	simm.s32 $0xFFFFFFFF;
	p2 =	slt.u32 s8, $0xFFFFF086  }
0x1c: {  	p1 =	slt.u32 s9, $0xF7A;
	s5 =	simm.s32 @!p2 $0x0  }
0x1d: {  	s5 =	simm.s32 @p1 $0x1;
	p0 =	seq.s32 s7, s2  }
0x1e: {  	s7 =	smul.u32 @!p0 $0xF7A, s2;
	p2 =	seq.s32 @!p0 s5, $0x0  }
0x1f: {  	s9 =	smul.u32 $0xF7A, s1;
	s8 =	simm.s32 @!p0 $0x1BF5;
	p2 =	por !p2, p0  }
0x20: {  	[sflag:s8] =	ssyncset.s32 @!p0 $0xFFFFF086;
	s6 =	sadd.s32 @!p0 s3, s7;
	s7 =	simm.s32 @!p0 $0x108  }
0x21: {  	s3 =	sadd.s32 s3, s9;
	s6 =	sadd.s32 @!p0 $0x88, s6;
	s7 =	simm.s32 @p2 $0x1082  }
0x22: {  	[simem:s7], [sflag:s8] =	dma.local @!p0 [hbm:s6], $0xF7A  }
0x23: {  	s9 =	sor.u32 $0xD0000000, s2;
	s6 =	simm.s32 $0x108;
	_ =	swait.ge @!p0 [sflag:s8], $0x0  }
0x24: {  	s3 =	sadd.s32 $0x88, s3;
	s6 =	simm.s32 @!p1 $0x1082;
	[sflag:s4] =	ssyncset.s32 $0xFFFFF086  }
0x25: {  	[simem:s6], [sflag:s4] =	dma.local [hbm:s3], $0xF7A  }
0x26: {  	[smem:$0x3F9B] =	sst s1;
	(tag) =	ssettag s2;
	_ =	strace s9  }
0x27: {  	s1 =	sld [smem:$0x3FAB]  }
0x28: {  	s2 =	sld [smem:$0x3FAC]  }
0x29: {  	s4 =	sld [smem:$0x3FAE]  }
0x2a: {  	p0 =	seq.s32 s5, $0x0;
	s5 =	sld [smem:$0x3FAF]  }
0x2b: {  	s6 =	sld [smem:$0x3FB0]  }
0x2c: {  	s7 =	sld [smem:$0x3FB1]  }
0x2d: {  	s3 =	simm.s32 $0x108;
	s8 =	sld [smem:$0x3FB2]  }
0x2e: {  	s3 =	simm.s32 @!p0 $0x1082;
	s9 =	sld [smem:$0x3FB3]  }
0x2f: {  	lr =	sadd.s32 s0, s3;
	s0 =	sld [smem:$0x3FAA]  }
0x30: {  	s3 =	sld [smem:$0x3FAD]  }
0x31: {  	[smem:$0x3FB6] =	sst s10  }
0x32: {  	s10 =	sld [smem:$0x3FB4];
	_ =	sdelay $0x3  }
0x33: {  	p0 =	seq.s32 s10, $0x1;
	s10 =	sld [smem:$0x3FB6];
	_ =	sdelay $0x3  }
0x34: {  	[smem:$0x3FB6] =	sst s10  }
0x35: {  	s10 =	sld [smem:$0x3FB5];
	_ =	sdelay $0x3  }
0x36: {  	p1 =	seq.s32 s10, $0x1;
	s10 =	sld [smem:$0x3FB6];
	_ =	sdelay $0x3  }
0x37: {  	[smem:$0x3FB6] =	sst s10  }
0x38: {  	s10 =	sld [smem:$0x3FB7]  }
0x39: {  	_ = 	snop;
	(pc) =	sbr.ind lr, $3  }
0x3a: {  	_ = 	snop  }
0x3b: {  	_ = 	snop  }
0x3c: {  	p2 =	seq.s32 s10, $0x1;
	s10 =	sld [smem:$0x3FB6]  }
0x3d: {  	_ =	shalt  }
0x3e: {  	_ =	shalt  }
0x3f: {  	_ =	shalt  }
0x40: {  	_ =	shalt  }
0x41: {  	_ =	shalt  }
0x42: {  	_ =	shalt  }
0x43: {  	_ =	shalt  }
0x44: {  	_ =	shalt  }
0x45: {  	_ =	shalt  }
0x46: {  	_ =	shalt  }
0x47: {  	_ =	shalt  }
0x48: {  	_ =	shalt  }
0x49: {  	_ =	shalt  }
0x4a: {  	_ =	shalt  }
0x4b: {  	_ =	shalt  }
0x4c: {  	_ =	shalt  }
0x4d: {  	_ =	shalt  }
0x4e: {  	_ =	shalt  }
0x4f: {  	_ =	shalt  }
0x50: {  	_ =	shalt  }
0x51: {  	_ =	shalt  }
0x52: {  	_ =	shalt  }
0x53: {  	_ =	shalt  }
0x54: {  	_ =	shalt  }
0x55: {  	_ =	shalt  }
0x56: {  	_ =	shalt  }
0x57: {  	_ =	shalt  }
0x58: {  	_ =	shalt  }
0x59: {  	_ =	shalt  }
0x5a: {  	_ =	shalt  }
0x5b: {  	_ =	shalt  }
0x5c: {  	_ =	shalt  }
0x5d: {  	_ =	shalt  }
0x5e: {  	_ =	shalt  }
0x5f: {  	_ =	shalt  }
0x60: {  	_ =	shalt  }
0x61: {  	_ =	shalt  }
0x62: {  	_ =	shalt  }
0x63: {  	_ =	shalt  }
0x64: {  	_ =	shalt  }
0x65: {  	_ =	shalt  }
0x66: {  	_ =	shalt  }
0x67: {  	_ =	shalt  }
0x68: {  	_ =	shalt  }
0x69: {  	_ =	shalt  }
0x6a: {  	_ =	shalt  }
0x6b: {  	_ =	shalt  }
0x6c: {  	_ =	shalt  }
0x6d: {  	_ =	shalt  }
0x6e: {  	_ =	shalt  }
0x6f: {  	_ =	shalt  }
0x70: {  	_ =	shalt  }
0x71: {  	_ =	shalt  }
0x72: {  	_ =	shalt  }
0x73: {  	_ =	shalt  }
0x74: {  	_ =	shalt  }
0x75: {  	_ =	shalt  }
0x76: {  	_ =	shalt  }
0x77: {  	_ =	shalt  }
0x78: {  	_ =	shalt  }
0x79: {  	_ =	shalt  }
0x7a: {  	_ =	shalt  }
0x7b: {  	_ =	shalt  }
0x7c: {  	_ =	shalt  }
0x7d: {  	_ =	shalt  }
0x7e: {  	_ =	shalt  }
0x7f: {  	_ =	shalt  }
0x80: {  	_ =	shalt  }
0x81: {  	_ =	shalt  }
0x82: {  	_ =	shalt  }
0x83: {  	_ =	shalt  }
0x84: {  	_ =	shalt  }
0x85: {  	_ =	shalt  }
0x86: {  	_ =	shalt  }
0x87: {  	_ =	shalt  }
.Lfunc_end0:
.L_simem_size_0:
called_computation_lowered:
.L_overlay_start_0:
0x88: {  	s2 =	sld [smem:$0x3FD9]  }
0x89: {  	s3 =	sld [smem:$0x3FFE];
	_ =	sdelay $0x1  }
0x8a: {  	s1 =	srdreg.scid  }
0x8b: {  	s0 =	sand.u32 $0x1, s1  }
0x8c: {  	s14 =	sshll.u32 s0, $0xA;
	s2 =	sadd.s32 s3, s2  }
0x8d: {  	s2 =	sadd.s32 s2, s14  }
0x8e: {  	[smem:$0x3FC2] =	sst s2  }
0x8f: {  	_ = 	snop  }
0x90: {  	s2 =	sld [smem:$0x3FD0];
	_ =	sdelay $0x2  }
0x91: {  	s15 =	simm.s32 $0xA;
	s4 =	simm.s32 $0x10  }
0x92: {  	[smem:s4], [sflag:s15] =	dma.local [hbm:s2], $0x1  }
0x93: {  	_ =	swait.eq [sflag:s15], $0x1  }
0x94: {  	[sflag:s15] =	ssyncset.done $0x0  }
0x95: {  	[sflag:s15] =	ssyncadd.s32 $0xFFFFFFFF  }
0x96: {  	s16 =	sld [smem:$0x10];
	(tm) =	ssettm $0x1  }
0x97: {  	s17 =	sld [smem:$0x3FFB];
	_ =	sdelay $0x3  }
0x98: {  	_ =	strace s17  }
0x99: {  	s3 =	sld [smem:$0x3FFC];
	_ =	sdelay $0x3  }
0x9a: {  	_ =	strace s3  }
0x9b: {  	s3 =	sld [smem:$0x3FFD];
	_ =	sdelay $0x3  }
0x9c: {  	_ =	strace s3  }
0x9d: {  	_ =	strace $0x8FFFFFFF  }
0x9e: {  	s18 =	sld [smem:$0x3FDB];
	_ =	sdelay $0x1  }
0x9f: {  	s19 =	simm.s32 $_scs_section_size  }
0xa0: {  	s5 =	simm.s32 $_size__tile_overlayer_lowered;
	s6 =	simm.s32 $_tile_overlayer_lowered  }
0xa1: {  	s22 =	simm.s32 $0x1BFF;
	s21 =	sshll.u32 s6, $0x1;
	s3 =	sadd.s32 s19, s18  }
0xa2: {  	s7 =	simm.s32 $0x0;
	s20 =	sshll.u32 s5, $0x1;
	s5 =	sadd.s32 s21, s3  }
0xa3: {  	[timem:s7], [sflag:s22] =	dma.local [hbm:s5], s20  }
0xa4: {  	_ =	swait.ge [sflag:s22], s20  }
0xa5: {  	s4 =	ssub.s32 $0x0, s20;
	[sflag:s22] =	ssyncset.done $0x0  }
0xa6: {  	[sflag:s22] =	ssyncadd.s32 s4;
	_ =	sdelay $0x1  }
0xa7: {  	s23 =	simm.s32 $0x1B8B  }
0xa8: {  	_ =	swait.ge [sflag:s23], $0x1  }
0xa9: {  	[sflag:s23] =	ssyncset.done $0x0  }
0xaa: {  	s25 =	simm.s32 $0x1B8E;
	s24 =	sld [smem:$0x3FFE];
	[sflag:s23] =	ssyncadd.s32 $0xFFFFFFFF  }
0xab: {  	s26 =	simm.s32 $execute0_lowered;
	[smem:$0x3FD2] =	sst s25  }
0xac: {  	s5 =	sshll.u32 s26, $0x1;
	_ =	strace $0x80000046;
	[dreg:$0x1] =	wrdreg $0xFFFFFFFF  }
0xad: {  	s28 =	simm.s32 $_size_execute0_lowered;
	s3 =	sadd.s32 s3, s5;
	[dreg:$0x0] =	wrdreg $0x0  }
0xae: {  	s5 =	sshll.u32 s28, $0x1;
	[dreg:$0x2] =	wrdreg s3  }
0xaf: {  	[dreg:$0x3] =	wrdreg s5  }
0xb0: {  	[dreg:$0x4] =	wrdreg $0xC0  }
0xb1: {  	_ =	task [dreg:s7], $0x5FFFF  }
0xb2: {  	[dreg:$0x1] =	wrdreg $0xFFFFFFFF  }
0xb3: {  	[dreg:$0x0] =	wrdreg $0x60  }
0xb4: {  	[dreg:$0x2] =	wrdreg s24  }
0xb5: {  	[dreg:$0x3] =	wrdreg s16  }
0xb6: {  	[dreg:$0x4] =	wrdreg $0x84000  }
0xb7: {  	[dreg:$0x5] =	wrdreg $0x9  }
0xb8: {  	_ =	task.clear_ibuf [dreg:s7], $0x6FFFF;
	_ =	strace $0x90000046  }
0xb9: {  	s29 =	simm.s32 $0x9;
	_ =	strace $0x80000048  }
0xba: {  	_ =	swait.ge [sflag:s29], $0x1  }
0xbb: {  	[sflag:s29] =	ssyncadd.s32 $0xFFFFFFFF  }
0xbc: {  	_ =	strace $0x90000048  }
0xbd: {  	_ =	sfence  }
0xbe: {  	s30 =	sld [smem:$0x0];
	_ =	sdelay $0x2  }
0xbf: {  	s31 =	sshll.u32 s1, $0xD;
	s1 =	sshrl.u32 s1, $0x2  }
0xc0: {  	s3 =	sand.u32 $0x4000, s31;
	s1 =	sadd.s32 s1, s30  }
0xc1: {  	s0 =	sor.u32 s3, s0;
	s1 =	sshll.u32 s1, $0x11  }
0xc2: {  	s0 =	sor.u32 s1, s0  }
0xc3: {  	s0 =	sadd.s32 $0x8F2B, s0  }
0xc4: {  	[sflag:s0] =	ssyncadd.remote.s32 $0x1  }
0xc5: {  	_ =	sfence.sel $0xFFFF  }
0xc6: {  	[dreg:$0x0] =	wrdreg $0xFFFFFFFF;
	(pc) =	sbr.abs _section_cstart, $3  }
0xc7: {  	[dreg:$0x1] =	wrdreg $0xFFFFFFFF  }
0xc8: {  	_ =	task.clear_ibuf [dreg:s7], $0x2FFFF;
	_ =	strace $0x9FFFFFFF  }
0xc9: {  	(tm) =	ssettm $0x7FFFFFFF  }
tec
execute0_lowered:
.L_overlay_start_1:
0x0: {  	(tag) =	ssettag $0x1  }
0x1: {  	s0 =	rddreg [dreg:$0x0]  }
0x2: {  	s1 =	rddreg [dreg:$0x1]  }
0x3: {  	s2 =	rddreg [dreg:$0x2];
	s3 =	simm.s32 $0x0  }
0x4: {  	s12 =	stileid.u32;
	s4 =	srdreg.scid;
	s28 =	simm.s32 $0x80  }
0x5: {  	s29 =	simm.s32 $0x400;
	s30 =	simm.s32 $0x5;
	s5 =	smul.u32 $0xA00, s12  }
0x6: {  	s31 =	simm.s32 $0x2;
	[smem:$0x7FF] =	sst s3;
	s14 =	smul.u32 $0x50000, s12  }
0x7: {  	s4 =	sand.u32 $0x1, s4;
	s10 =	sadd.s32 $0xB200, s0;
	s20 =	smul.u32 $0x2800, s12  }
0x8: {  	s16 =	sshll.u32 s12, $0x6;
	_ =	strace $0x80000047;
	s6 =	smul.u32 $0x28000, s4  }
0x9: {  	s7 =	ssub.s32 $0x2, s4;
	[dreg:$0x4] =	wrdreg s10;
	s10 =	smul.u32 $0x280, s12  }
0xa: {  	s4 =	smul.u32 $0x27100, s4;
	s12 =	simm.s32 $0x4;
	s11 =	sshrl.u32 s7, $0x1  }
0xb: {  	s8 =	sadd.s32 s5, s0;
	s0 =	sadd.s32 s6, s0;
	s13 =	ssub.s32 s7, s11  }
0xc: {  	s5 =	sadd.s32 $0x1200, s8;
	s9 =	sadd.s32 $0x1220, s8;
	s15 =	sadd.s32 $0x1240, s8  }
0xd: {  	s7 =	sshrl.u32 s14, $0x2;
	s8 =	sadd.s32 $0x1260, s8;
	s11 =	sadd.s32 s1, s4  }
0xe: {  	s17 =	sadd.s32 $0x80, s10;
	s21 =	sadd.s32 $0x100, s10;
	[dreg:$0x5] =	wrdreg s9  }
0xf: {  	s23 =	sadd.s32 $0x180, s10;
	s10 =	sadd.s32 $0x200, s10;
	[dreg:$0x6] =	wrdreg s15  }
0x10: {  	s14 =	simm.s32 $0x0;
	[dreg:$0x7] =	wrdreg s8;
	s9 =	sadd.s32 s7, s2  }
0x11: {  	s7 =	sor.u32 $0x1C09, s16;
	s0 =	sadd.s32 $0xDA00, s0;
	s18 =	smax.u32 s13, $0x1  }
0x12: {  	s19 =	sshll.u32 s17, $0x7;
	s1 =	sshll.u32 s17, $0x4;
	s22 =	sshll.u32 s21, $0x7  }
0x13: {  	s24 =	sshll.u32 s23, $0x7;
	s25 =	sshll.u32 s10, $0x7;
	s8 =	sshll.u32 s23, $0x4  }
0x14: {  	s26 =	sshll.u32 s10, $0x4;
	s17 =	simm.s32 $0x100;
	[dreg:$0x8] =	wrdreg s7  }
0x15: {  	s10 =	simm.s32 $0x8;
	s13 =	simm.s32 $0x380;
	[dreg:$0x9] =	wrdreg s18  }
0x16: {  	s4 =	sadd.s32 s19, s2;
	s7 =	sadd.s32 s22, s2;
	s18 =	simm.s32 $0x200  }
0x17: {  	s19 =	simm.s32 $0x300;
	s6 =	sadd.s32 s20, s0;
	[dreg:$0xa] =	wrdreg s4  }
0x18: {  	s1 =	sadd.s32 s1, s0;
	s23 =	sadd.s32 s8, s0;
	[dreg:$0xb] =	wrdreg s7  }
0x19: {  	s8 =	simm.s32 $0x280;
	s4 =	sshll.u32 s21, $0x4;
	[dreg:$0xe] =	wrdreg s6  }
.Ltmp0:
0x1a: {  	s7 =	sadd.s32 s24, s2;
	[dreg:$0xf] =	wrdreg s1;
	(pc) =	sbr.rel .LBB2_1-.Ltmp0, $4  }
0x1b: {  	s24 =	sadd.s32 s26, s0;
	s26 =	simm.s32 $0x1;
	s1 =	simm.s32 $0x6  }
0x1c: {  	s6 =	simm.s32 $0x7;
	[dreg:$0xc] =	wrdreg s7;
	s7 =	sadd.s32 s25, s2  }
0x1d: {  	s22 =	sadd.s32 s4, s0;
	s25 =	simm.s32 $0x9;
	s0 =	simm.s32 $0x4400  }
0x1e: {  	s4 =	simm.s32 $0x180;
	[dreg:$0xd] =	wrdreg s7;
	s7 =	simm.s32 $0x3  }
.LBB2_4:
0x1f: {  	_ =	swait.ge [sflag:s10], $0x4000  }
0x20: {  	[sflag:s10] =	ssyncset.done $0x0  }
0x21: {  	[sflag:s10] =	ssyncadd.s32 $0xFFFFC000  }
0x22: {  	[bflag:$0x0] =	sbarrier.arrive $0xFFFF  }
0x23: {  	[tilespmem:s29], [sflag:$0x9] =	stream.linear.gather [spmem:s9], $0x4000, $0x38;
	[tilespmem:$0x1C400] =	vst v63  }
0x24: {  	_ =	swait.ge [sflag:s25], $0x4000  }
0x25: {  	[sflag:s25] =	ssyncset.done $0x0  }
0x26: {  	s15 =	rddreg [dreg:$0xe];
	[sflag:s25] =	ssyncadd.s32 $0xFFFFC000  }
0x27: {  	[hbm4b:s15+s3] =	stream.linear.scatter [tilespmem:s29], [sflag:$0x9], $0x4000, $0x38;
	[tilespmem:$0x1C400] =	vst v63  }
0x28: {  	_ =	swait.ge [sflag:s25], $0x4000  }
0x29: {  	[sflag:s25] =	ssyncset.done $0x0  }
0x2a: {  	s16 =	rddreg [dreg:$0xa];
	[sflag:s25] =	ssyncadd.s32 $0xFFFFC000  }
0x2b: {  	[tilespmem:s29], [sflag:$0x9] =	stream.linear.gather [spmem:s16], $0x4000, $0x38;
	[tilespmem:$0x1C400] =	vst v63  }
0x2c: {  	_ =	swait.ge [sflag:s25], $0x4000  }
0x2d: {  	[sflag:s25] =	ssyncset.done $0x0  }
0x2e: {  	s20 =	rddreg [dreg:$0xf];
	[sflag:s25] =	ssyncadd.s32 $0xFFFFC000  }
0x2f: {  	[hbm4b:s20+s3] =	stream.linear.scatter [tilespmem:s29], [sflag:$0x9], $0x4000, $0x38;
	[tilespmem:$0x1C400] =	vst v63  }
0x30: {  	_ =	swait.ge [sflag:s25], $0x4000  }
0x31: {  	[sflag:s25] =	ssyncset.done $0x0  }
0x32: {  	s21 =	rddreg [dreg:$0xb];
	[sflag:s25] =	ssyncadd.s32 $0xFFFFC000  }
0x33: {  	[tilespmem:s29], [sflag:$0x9] =	stream.linear.gather [spmem:s21], $0x4000, $0x38;
	[tilespmem:$0x1C400] =	vst v63  }
0x34: {  	_ =	swait.ge [sflag:s25], $0x4000  }
0x35: {  	[sflag:s25] =	ssyncset.done $0x0  }
0x36: {  	[sflag:s25] =	ssyncadd.s32 $0xFFFFC000  }
0x37: {  	[hbm4b:s22+s3] =	stream.linear.scatter [tilespmem:s29], [sflag:$0x9], $0x4000, $0x38;
	[tilespmem:$0x1C400] =	vst v63  }
0x38: {  	_ =	swait.ge [sflag:s25], $0x4000  }
0x39: {  	[sflag:s25] =	ssyncset.done $0x0  }
0x3a: {  	s16 =	rddreg [dreg:$0xc];
	[sflag:s25] =	ssyncadd.s32 $0xFFFFC000  }
0x3b: {  	[tilespmem:s29], [sflag:$0x9] =	stream.linear.gather [spmem:s16], $0x4000, $0x38;
	[tilespmem:$0x1C400] =	vst v63  }
0x3c: {  	_ =	swait.ge [sflag:s25], $0x4000  }
0x3d: {  	[sflag:s25] =	ssyncset.done $0x0  }
0x3e: {  	[sflag:s25] =	ssyncadd.s32 $0xFFFFC000  }
0x3f: {  	[hbm4b:s23+s3] =	stream.linear.scatter [tilespmem:s29], [sflag:$0x9], $0x4000, $0x38;
	[tilespmem:$0x1C400] =	vst v63  }
0x40: {  	_ =	swait.ge [sflag:s25], $0x4000  }
0x41: {  	[sflag:s25] =	ssyncset.done $0x0  }
0x42: {  	s20 =	rddreg [dreg:$0xd];
	[sflag:s25] =	ssyncadd.s32 $0xFFFFC000  }
0x43: {  	[tilespmem:s29], [sflag:$0x9] =	stream.linear.gather [spmem:s20], $0x4000, $0x38;
	[tilespmem:$0x1C400] =	vst v63  }
0x44: {  	_ =	swait.ge [sflag:s25], $0x4000  }
0x45: {  	[sflag:s25] =	ssyncset.done $0x0  }
0x46: {  	[sflag:s25] =	ssyncadd.s32 $0xFFFFC000  }
0x47: {  	[hbm4b:s24+s3] =	stream.linear.scatter [tilespmem:s29], [sflag:$0x9], $0x4000, $0x38;
	[tilespmem:$0x1C400] =	vst v63  }
0x48: {  	_ =	swait.ge [sflag:s25], $0x4000  }
0x49: {  	s14 =	sadd.s32 $0x1, s14;
	s21 =	rddreg [dreg:$0x9]  }
0x4a: {  	p0 =	sne.s32 s14, s21  }
.Ltmp1:
0x4b: {  	_ = 	snop;
	(pc) =	sbr.rel @!p0 .LBB2_5-.Ltmp1, $3  }
0x4c: {  	_ =	sdelay $0x1  }
0x4d: {  	[sflag:s25] =	ssyncset.done $0x0  }
0x4e: {  	[sflag:s25] =	ssyncadd.s32 $0xFFFFC000  }
.LBB2_1:
0x4f: {  	[tilespmem:s3], [sflag:$0x1] =	stream.linear.gather [hbm4b:s5+s3], $0x100, $0x38;
	[tilespmem:$0x1C400] =	vst v63  }
0x50: {  	s15 =	rddreg [dreg:$0x5]  }
0x51: {  	s16 =	rddreg [dreg:$0x6]  }
0x52: {  	[tilespmem:s17], [sflag:$0x2] =	stream.linear.gather [hbm4b:s15+s3], $0x100, $0x38;
	[tilespmem:$0x1C400] =	vst v63  }
0x53: {  	s20 =	rddreg [dreg:$0x7]  }
0x54: {  	[tilespmem:s18], [sflag:$0x3] =	stream.linear.gather [hbm4b:s16+s3], $0x100, $0x38;
	[tilespmem:$0x1C400] =	vst v63  }
0x55: {  	s16 =	rddreg [dreg:$0x4]  }
0x56: {  	[tilespmem:s19], [sflag:$0x4] =	stream.linear.gather [hbm4b:s20+s3], $0x100, $0x38;
	[tilespmem:$0x1C400] =	vst v63  }
0x57: {  	s21 =	sshrl.u32 s9, $0x3;
	s20 =	rddreg [dreg:$0x8]  }
0x58: {  	[spmem:s21], [sflag:s20] =	dma.local [hbm:s16], $0x2800  }
0x59: {  	_ =	swait.ge [sflag:s25], $0x2800  }
0x5a: {  	[sflag:s25] =	ssyncset.done $0x0  }
0x5b: {  	[sflag:s25] =	ssyncadd.s32 $0xFFFFD800  }
0x5c: {  	[bflag:$0x0] =	sbarrier.arrive $0xFFFF  }
0x5d: {  	_ =	swait.ge [sflag:s26], $0x100  }
0x5e: {  	[sflag:s26] =	ssyncset.done $0x0  }
0x5f: {  	s15 =	simm.s32 $0x0;
	[sflag:s26] =	ssyncadd.s32 $0xFFFFFF00  }
0x60: {  	[tilespmem:s29], [sflag:$0x5] =	stream.indirect.gather [hbm4b:s11+s28], $0x80, s3, s28, $0xb8;
	[tilespmem:$0x1C400] =	vst v63  }
.LBB2_2:
0x61: {  	_ =	swait.ge [sflag:s30], $0x4000  }
0x62: {  	p0 =	seq.s32 s15, $0x0;
	[sflag:s30] =	ssyncset.done $0x0  }
0x63: {  	s16 =	simm.s32 @!p0 $0x8;
	[sflag:s30] =	ssyncadd.s32 $0xFFFFC000  }
0x64: {  	[spmem:s2] =	stream.indirect.scatter.add.f32 [tilespmem:s29], [sflag:$0x7], $0x80, s28, s28, $0xb8;
	[tilespmem:$0x1C400] =	vst v63  }
0x65: {  	_ =	swait.ge @!p0 [sflag:s16], $0x4000  }
0x66: {  	[sflag:s16] =	ssyncset.done @!p0 $0x0  }
0x67: {  	[sflag:s16] =	ssyncadd.s32 @!p0 $0xFFFFC000;
	s16 =	sadd.s32 @!p0 s15, s5  }
0x68: {  	s20 =	simm.s32 @!p0 $0x0;
	s21 =	simm.s32 @!p0 $0x300;
	s16 =	sadd.s32 @!p0 $0x60, s16  }
0x69: {  	[tilespmem:s21], [sflag:$0x4] =	stream.linear.gather @!p0 [hbm4b:s16+s20], $0x100, $0x38;
	[tilespmem:$0x1C400] =	vst v63  }
0x6a: {  	_ =	swait.ge [sflag:s31], $0x100  }
0x6b: {  	[sflag:s31] =	ssyncset.done $0x0  }
0x6c: {  	[sflag:s31] =	ssyncadd.s32 $0xFFFFFF00  }
0x6d: {  	[tilespmem:s0], [sflag:$0x6] =	stream.indirect.gather [hbm4b:s11+s28], $0x80, s17, s28, $0xb8;
	[tilespmem:$0x1C400] =	vst v63  }
0x6e: {  	_ =	swait.ge [sflag:s1], $0x4000  }
0x6f: {  	[sflag:s1] =	ssyncset.done $0x0  }
0x70: {  	[sflag:s1] =	ssyncadd.s32 $0xFFFFC000  }
0x71: {  	[spmem:s2] =	stream.indirect.scatter.add.f32 [tilespmem:s0], [sflag:$0x8], $0x80, s4, s28, $0xb8;
	[tilespmem:$0x1C400] =	vst v63  }
0x72: {  	p0 =	seq.s32 s15, $0x980;
	_ =	swait.ge [sflag:s6], $0x4000  }
0x73: {  	s16 =	sadd.s32 @!p0 s15, s5;
	[sflag:s6] =	ssyncset.done $0x0  }
0x74: {  	s21 =	simm.s32 @!p0 $0x0;
	s20 =	sadd.s32 @!p0 $0x80, s16;
	[sflag:s6] =	ssyncadd.s32 $0xFFFFC000  }
0x75: {  	[tilespmem:s21], [sflag:$0x1] =	stream.linear.gather @!p0 [hbm4b:s20+s21], $0x100, $0x38;
	[tilespmem:$0x1C400] =	vst v63  }
0x76: {  	_ =	swait.ge [sflag:s7], $0x100  }
0x77: {  	[sflag:s7] =	ssyncset.done $0x0  }
0x78: {  	[sflag:s7] =	ssyncadd.s32 $0xFFFFFF00  }
0x79: {  	[tilespmem:s29], [sflag:$0x5] =	stream.indirect.gather [hbm4b:s11+s28], $0x80, s18, s28, $0xb8;
	[tilespmem:$0x1C400] =	vst v63  }
0x7a: {  	_ =	swait.ge [sflag:s30], $0x4000  }
0x7b: {  	[sflag:s30] =	ssyncset.done $0x0  }
0x7c: {  	[sflag:s30] =	ssyncadd.s32 $0xFFFFC000  }
0x7d: {  	[spmem:s2] =	stream.indirect.scatter.add.f32 [tilespmem:s29], [sflag:$0x7], $0x80, s8, s28, $0xb8;
	[tilespmem:$0x1C400] =	vst v63  }
0x7e: {  	_ =	swait.ge [sflag:s10], $0x4000  }
0x7f: {  	[sflag:s10] =	ssyncset.done $0x0  }
0x80: {  	s16 =	sadd.s32 @!p0 $0xA0, s16;
	s20 =	simm.s32 @!p0 $0x100;
	[sflag:s10] =	ssyncadd.s32 $0xFFFFC000  }
0x81: {  	[tilespmem:s20], [sflag:$0x2] =	stream.linear.gather @!p0 [hbm4b:s16+s21], $0x100, $0x38;
	[tilespmem:$0x1C400] =	vst v63  }
0x82: {  	_ =	swait.ge [sflag:s12], $0x100  }
0x83: {  	[sflag:s12] =	ssyncset.done $0x0  }
0x84: {  	[sflag:s12] =	ssyncadd.s32 $0xFFFFFF00  }
0x85: {  	[tilespmem:s0], [sflag:$0x6] =	stream.indirect.gather [hbm4b:s11+s28], $0x80, s19, s28, $0xb8;
	[tilespmem:$0x1C400] =	vst v63  }
0x86: {  	_ =	swait.ge [sflag:s1], $0x4000  }
0x87: {  	[sflag:s1] =	ssyncset.done $0x0  }
.Ltmp2:
0x88: {  	[sflag:s1] =	ssyncadd.s32 $0xFFFFC000;
	(pc) =	sbr.rel @p0 .LBB2_4-.Ltmp2, $4  }
0x89: {  	[spmem:s2] =	stream.indirect.scatter.add.f32 [tilespmem:s0], [sflag:$0x8], $0x80, s13, s28, $0xb8;
	[tilespmem:$0x1C400] =	vst v63  }
0x8a: {  	_ =	swait.ge [sflag:s6], $0x4000  }
0x8b: {  	[sflag:s6] =	ssyncset.done $0x0  }
0x8c: {  	[sflag:s6] =	ssyncadd.s32 $0xFFFFC000  }
0x8d: {  	s16 =	sadd.s32 s15, s5  }
0x8e: {  	s16 =	sadd.s32 $0xC0, s16  }
0x8f: {  	[tilespmem:s18], [sflag:$0x3] =	stream.linear.gather [hbm4b:s16+s3], $0x100, $0x38;
	[tilespmem:$0x1C400] =	vst v63  }
.Ltmp3:
0x90: {  	_ = 	snop;
	(pc) =	sbr.rel .LBB2_2-.Ltmp3, $4  }
0x91: {  	_ =	swait.ge [sflag:s26], $0x100  }
0x92: {  	[sflag:s26] =	ssyncset.done $0x0  }
0x93: {  	s15 =	sadd.s32 $0x80, s15;
	[sflag:s26] =	ssyncadd.s32 $0xFFFFFF00  }
0x94: {  	[tilespmem:s29], [sflag:$0x5] =	stream.indirect.gather [hbm4b:s11+s28], $0x80, s3, s28, $0xb8;
	[tilespmem:$0x1C400] =	vst v63  }
.LBB2_5:
0x95: {  	_ =	sfence.sel $0x180000  }
0x96: {  	[bflag:$0x0] =	sbarrier.arrive $0xFFFF  }
0x97: {  	_ =	strace $0x90000047  }
0x98: {  	s0 =	stileid.u32;
	[bflag:$0x2] =	sbarrier.arrive $0xFFFF  }
0x99: {  	p0 =	sne.s32 s0, $0x0;
	s0 =	rddreg [dreg:$0x3]  }
0x9a: {  	s0 =	sadd.s32 @!p0 $0x100000, s0  }
0x9b: {  	[sflag:s0] =	ssyncadd.tile.s32 @!p0 $0x1;
	_ =	shalt  }
.Lfunc_end2:
_tile_overlayer_lowered:
.L_overlay_start_2:
0x9c: {  	(tag) =	ssettag $0x2  }
0x9d: {  	s0 =	rddreg [dreg:$0x0];
	s2 =	stileid.u32  }
0x9e: {  	s1 =	rddreg [dreg:$0x1];
	p0 =	sne.s32 s2, $0x0  }
0x9f: {  	s3 =	rddreg [dreg:$0x2];
	[bflag:$0x3] =	sbarrier.arrive $0xFFFF;
	s2 =	simm.s32 @!p0 $0x1C09  }
0xa0: {  	[timem:s3], [sflag:s2] =	dma.local @!p0 [hbm:s0], s1  }
0xa1: {  	s0 =	simm.s32 @!p0 $0x9  }
0xa2: {  	_ =	swait.ge @!p0 [sflag:s0], s1  }
0xa3: {  	s1 =	ssub.s32 @!p0 $0x0, s1;
	[sflag:s0] =	ssyncset.done @!p0 $0x0  }
0xa4: {  	[sflag:s0] =	ssyncadd.s32 @!p0 s1  }
0xa5: {  	[bflag:$0x3] =	sbarrier.arrive $0xFFFF  }
0xa6: {  	_ =	shalt  }

</sc_bundles>
